<compile_context>
chip_gen: v7x
topology: tpu7x:2x2x1
jax: 0.10.2.dev20260603
libtpu: 0.0.44.dev20260713+nightly
codegen_flags: <defaults>
</compile_context>

<pallas_src>
import functools

import jax
import jax.numpy as jnp
from jax import lax
from jax.experimental import pallas as pl
from jax.experimental.pallas import tpu as pltpu
from jax.experimental.pallas import tpu_sc as plsc

_NG = 16
_F32 = jnp.float32

_dot = functools.partial(
    lax.dot, precision=lax.Precision.DEFAULT, preferred_element_type=_F32)


def _dott(a, b):
    return lax.dot_general(
        a, b, (((0,), (0,)), ((), ())),
        precision=lax.Precision.DEFAULT, preferred_element_type=_F32)


def _ln(x, g, b):
    m = jnp.mean(x, axis=-1, keepdims=True)
    v = jnp.mean((x - m) ** 2, axis=-1, keepdims=True)
    return (x - m) * lax.rsqrt(v + 1e-5) * g + b



def _edge_hist_sc(src2d, dstp, batch, n_rows):
    N = batch.shape[0]
    EP = dstp.shape[0]
    NW = 32
    EPT = EP // NW
    NDMA = EPT // 128
    GROUPS = EPT // 16
    RPT = n_rows // 16
    mesh = plsc.VectorSubcoreMesh(core_axis_name="c", subcore_axis_name="s")

    @functools.partial(
        pl.kernel,
        mesh=mesh,
        compiler_params=pltpu.CompilerParams(
            needs_layout_passes=False, use_tc_tiling_on_sc=False),
        out_type=jax.ShapeDtypeStruct((2, n_rows, _NG), _F32),
        scratch_types=[
            pltpu.VMEM((NDMA, 128), jnp.int32),
            pltpu.VMEM((EPT,), jnp.int32),
            pltpu.VMEM((N,), jnp.int32),
            pltpu.VMEM((EPT, _NG), _F32),
            pltpu.VMEM_SHARED((n_rows, _NG), _F32),
            pltpu.SemaphoreType.DMA,
        ],
    )
    def k(src_hbm, dst_hbm, batch_hbm, out_hbm, srcv, dstv, bv, oh, csh, sem):
        c = lax.axis_index("c")
        s = lax.axis_index("s")
        tile = c * 16 + s
        pltpu.sync_copy(src_hbm.at[pl.ds(tile * NDMA, NDMA)], srcv)
        pltpu.sync_copy(dst_hbm.at[pl.ds(tile * EPT, EPT)], dstv)
        pltpu.sync_copy(batch_hbm, bv)

        zero16 = jnp.zeros((16,), _F32)

        def zero_body(r, _):
            oh[r, :] = zero16
            return 0

        lax.fori_loop(0, EPT, zero_body, 0)
        pltpu.sync_copy(oh.at[pl.ds(0, RPT)], csh.at[pl.ds(s * RPT, RPT)])
        plsc.subcore_barrier()

        ones16 = jnp.ones((16,), _F32)
        iota16 = lax.iota(jnp.int32, 16)

        def fill_body(g, _):
            dvec = dstv[pl.ds(g * 16, 16)]
            bg = plsc.load_gather(bv, [dvec])
            rows = g * 16 + iota16
            plsc.store_scatter(oh, [rows, bg], ones16)
            return 0

        lax.fori_loop(0, GROUPS, fill_body, 0)

        def fire_body(j, _):
            pltpu.async_copy(
                oh.at[pl.ds(j * 128, 128)], csh.at[srcv.at[j]], sem, add=True)
            return 0

        lax.fori_loop(0, NDMA, fire_body, 0)

        def drain_body(j, _):
            pltpu.make_async_copy(
                oh.at[pl.ds(j * 128, 128)], csh.at[srcv.at[j]], sem).wait()
            return 0

        lax.fori_loop(0, NDMA, drain_body, 0)
        plsc.subcore_barrier()

        pltpu.sync_copy(csh.at[pl.ds(s * RPT, RPT)], oh.at[pl.ds(0, RPT)])
        pltpu.sync_copy(oh.at[pl.ds(0, RPT)], out_hbm.at[c, pl.ds(s * RPT, RPT)])

    return k(src2d, dstp, batch)



def _enc_body(x_r, b_r, lpe_r, rw_r, W1, b1, g1, bn1, W2, b2,
              thh, thl, thr, h_out, axh, axl, axr, m_out, cnt_out):
    i = pl.program_id(0)
    t = _dot(x_r[...], W1[...]) + b1[...]
    t = jnp.maximum(_ln(t, g1[...], bn1[...]), 0.0)
    h = _dot(t, W2[...]) + b2[...]
    h_out[...] = h
    lpe = lpe_r[...]
    rw = rw_r[...]
    alpha64 = _dot(h, thh[...]) + _dot(lpe, thl[...]) + _dot(rw, thr[...])
    g64 = lax.broadcasted_iota(jnp.int32, (1, 4 * _NG), 1) // 4
    a2 = alpha64 * (b_r[...] == g64).astype(_F32)
    iota_g = lax.broadcasted_iota(jnp.int32, (1, _NG), 1)
    oh = (b_r[...] == iota_g).astype(_F32)

    @pl.when(i == 0)
    def _():
        axh[...] = jnp.zeros_like(axh)
        axl[...] = jnp.zeros_like(axl)
        axr[...] = jnp.zeros_like(axr)
        m_out[...] = jnp.zeros_like(m_out)
        cnt_out[...] = jnp.zeros_like(cnt_out)

    axh[...] += _dott(a2, h)
    axl[...] += _dott(a2, lpe)
    axr[...] += _dott(a2, rw)
    m_out[...] += _dott(oh, h)
    cnt_out[...] += _dott(oh, jnp.ones((h.shape[0], 1), _F32))



def _cred_body(nb, h_r, b_r, c0_r, c1_r, u0, u1, u2, u3, m_r, cnt_r, inW,
               convWT, convb, xpW, dtW, dtb, Alog, Dp, outW, lng, lnb, mW1,
               mW2, mb, gW, gb, dW1, db1, dg, dbn, dW2, db2, out_r,
               mc_s, oc_s):
    i = pl.program_id(0)

    @pl.when(i == 0)
    def _():
        mc_s[...] = jnp.zeros_like(mc_s)
        oc_s[...] = jnp.zeros_like(oc_s)

    @pl.when(i < nb)
    def _():
        h = h_r[...]
        iota_g = lax.broadcasted_iota(jnp.int32, (1, _NG), 1)
        oh = (b_r[...] == iota_g).astype(_F32)
        cs = c0_r[...] + c1_r[...]
        mc_s[...] += _dott(cs, h)
        oc_s[...] += _dott(cs, oh)

    @pl.when(i == nb)
    def _():
        _mamba_final(u0, u1, u2, u3, m_r, mc_s, oc_s, cnt_r, inW, convWT,
                     convb, xpW, dtW, dtb, Alog, Dp, outW, lng, lnb, mW1,
                     mW2, mb, gW, gb, dW1, db1, dg, dbn, dW2, db2, out_r)



def _mamba_final(u0, u1, u2, u3, m_r, mc_r, oc_r, cnt_r, inW, convWT, convb,
                 xpW, dtW, dtb, Alog, Dp, outW, lng, lnb, mW1, mW2, mb, gW, gb,
                 dW1, db1, dg, dbn, dW2, db2, out_r):
    us = [u0[...], u1[...], u2[...], u3[...]]
    di = convb.shape[-1]
    dr = dtW.shape[0]
    ds = Alog.shape[-1]
    xis = []
    z3 = None
    for t in range(4):
        xz = _dot(us[t], inW[...])
        xis.append(xz[:, :di])
        if t == 3:
            z3 = xz[:, di:]
    convs = []
    for t in range(4):
        acc = convb[...]
        for k in range(4):
            ti = t + k - 3
            if ti >= 0:
                acc = acc + xis[ti] * convWT[k, :][None, :]
        convs.append(acc * jax.nn.sigmoid(acc))
    dts, bms = [], []
    cm3 = None
    for t in range(4):
        dbc = _dot(convs[t], xpW[...])
        dts.append(jax.nn.softplus(_dot(dbc[:, :dr], dtW[...]) + dtb[...]))
        bms.append(dbc[:, dr:dr + ds])
        if t == 3:
            cm3 = dbc[:, dr + ds:dr + 2 * ds]
    A = -jnp.exp(Alog[...])
    NGn = us[0].shape[0]
    edges = list(range(0, di, 256)) + [di]
    y3parts = []
    for lo, hi in zip(edges[:-1], edges[1:]):
        sl = slice(lo, hi)
        Ac = A[sl, :]
        h = jnp.zeros((NGn, hi - lo, ds), _F32)
        for t in range(4):
            dA = jnp.exp(dts[t][:, sl, None] * Ac[None, :, :])
            h = dA * h + (dts[t][:, sl] * convs[t][:, sl])[:, :, None] \
                * bms[t][:, None, :]
        y3parts.append(jnp.sum(h * cm3[:, None, :], axis=-1))
    y3 = jnp.concatenate(y3parts, axis=1) + Dp[...] * convs[3]
    y3 = y3 * (z3 * jax.nn.sigmoid(z3))
    xm = _ln(_dot(y3, outW[...]), lng[...], lnb[...])
    q = _dot(xm, mW2[...]) + mb[...]

    cnt = cnt_r[...]
    iota_r = lax.broadcasted_iota(jnp.int32, (_NG, _NG), 0)
    iota_c = lax.broadcasted_iota(jnp.int32, (_NG, _NG), 1)
    o_tot = jnp.where(iota_r == iota_c, cnt, 0.0) + oc_r[...]
    s_tot = _dot(m_r[...] + mc_r[...], mW1[...]) + _dot(o_tot, q)
    pooled = _dot(s_tot, gW[...]) + cnt_r[...] * gb[...]
    t2 = _dot(pooled, dW1[...]) + db1[...]
    t2 = jnp.maximum(_ln(t2, dg[...], dbn[...]), 0.0)
    out_r[...] = _dot(t2, dW2[...]) + db2[...]



def kernel(x, edge_index, batch, laplacePE, rwse, params):
    p = params
    N, D = x.shape
    E = edge_index.shape[1]
    H = p['enc_W2'].shape[1]
    PE = laplacePE.shape[1] + rwse.shape[1]
    dm = H + PE
    OUT = p['dec_W2'].shape[1]
    BN = 2000
    NB = N // BN

    batch_i32 = batch.astype(jnp.int32)
    b2d = batch_i32.reshape(N, 1)

    EPT = 5120
    EP = 32 * EPT
    NR = ((N + 16 + 127) // 128) * 128
    src = edge_index[0].astype(jnp.int32)
    dst = edge_index[1].astype(jnp.int32)
    pad_src = N + (jnp.arange(EP - E, dtype=jnp.int32) % (NR - N))
    srcp = jnp.concatenate([src, pad_src])
    dstp = jnp.concatenate([dst, jnp.zeros((EP - E,), jnp.int32)])
    src2d = srcp.reshape(32 * (EPT // 128), 128)
    cp = _edge_hist_sc(src2d, dstp, batch_i32, NR)
    c0 = cp[0, :N]
    c1 = cp[1, :N]

    thW = p['theta_W']
    thh = jnp.tile(thW[:H], (1, _NG))
    thl = jnp.tile(thW[H:H + laplacePE.shape[1]], (1, _NG))
    thr = jnp.tile(thW[H + laplacePE.shape[1]:], (1, _NG))
    row = lambda a: a.reshape(1, -1)
    full = lambda a: pl.BlockSpec(a.shape, lambda i: (0,) * a.ndim)
    wA = [p['enc_W1'], row(p['enc_b1']), row(p['enc_g']), row(p['enc_bn']),
          p['enc_W2'], row(p['enc_b2']), thh, thl, thr]
    h_full, axh, axl, axr, m_acc, cnt = pl.pallas_call(
        _enc_body,
        grid=(NB,),
        in_specs=[
            pl.BlockSpec((BN, D), lambda i: (i, 0)),
            pl.BlockSpec((BN, 1), lambda i: (i, 0)),
            pl.BlockSpec((BN, laplacePE.shape[1]), lambda i: (i, 0)),
            pl.BlockSpec((BN, rwse.shape[1]), lambda i: (i, 0)),
        ] + [full(a) for a in wA],
        out_specs=[
            pl.BlockSpec((BN, H), lambda i: (i, 0)),
            pl.BlockSpec((4 * _NG, H), lambda i: (0, 0)),
            pl.BlockSpec((4 * _NG, laplacePE.shape[1]), lambda i: (0, 0)),
            pl.BlockSpec((4 * _NG, rwse.shape[1]), lambda i: (0, 0)),
            pl.BlockSpec((_NG, H), lambda i: (0, 0)),
            pl.BlockSpec((_NG, 1), lambda i: (0, 0)),
        ],
        out_shape=[
            jax.ShapeDtypeStruct((N, H), _F32),
            jax.ShapeDtypeStruct((4 * _NG, H), _F32),
            jax.ShapeDtypeStruct((4 * _NG, laplacePE.shape[1]), _F32),
            jax.ShapeDtypeStruct((4 * _NG, rwse.shape[1]), _F32),
            jax.ShapeDtypeStruct((_NG, H), _F32),
            jax.ShapeDtypeStruct((_NG, 1), _F32),
        ],
    )(x, b2d, laplacePE, rwse, *wA)

    ax = jnp.concatenate([axh, axl, axr], axis=1)
    ax = ax.reshape(_NG, 4, dm).transpose(1, 0, 2)
    u0, u1, u2, u3 = ax[0], ax[1], ax[2], ax[3]

    wB = [p['in_proj_W'], p['conv_W'].T, row(p['conv_b']), p['x_proj_W'],
          p['dt_W'], row(p['dt_b']), p['A_log'], row(p['Dp']),
          p['out_proj_W'], row(p['lnm_g']), row(p['lnm_b']),
          p['merge_W'][:H], p['merge_W'][H:], row(p['merge_b']),
          p['gin2_W'], row(p['gin2_b']),
          p['dec_W1'], row(p['dec_b1']), row(p['dec_g']), row(p['dec_bn']),
          p['dec_W2'], row(p['dec_b2'])]
    clamp = lambda i: (jnp.minimum(i, NB - 1), 0)
    out = pl.pallas_call(
        functools.partial(_cred_body, NB),
        grid=(NB + 1,),
        in_specs=[
            pl.BlockSpec((BN, H), clamp),
            pl.BlockSpec((BN, 1), clamp),
            pl.BlockSpec((BN, _NG), clamp),
            pl.BlockSpec((BN, _NG), clamp),
        ] + [full(a) for a in [u0, u1, u2, u3, m_acc, cnt] + wB],
        out_specs=pl.BlockSpec((_NG, OUT), lambda i: (0, 0)),
        out_shape=jax.ShapeDtypeStruct((_NG, OUT), _F32),
        scratch_shapes=[
            pltpu.VMEM((_NG, H), _F32),
            pltpu.VMEM((_NG, _NG), _F32),
        ],
    )(h_full, b2d, c0, c1, u0, u1, u2, u3, m_acc, cnt, *wB)
    return out

# --- scband reference (transcript-rebuilt; emitter-appended) ---
"""Pipeline reference for scband-gamba-6030134083940 (READ-ONLY COPY).

The authoritative reference and input builder live on the scoring server;
editing this copy changes nothing except your own understanding.
"""

import jax, jax.numpy as jnp
import numpy as np


def _ln(x, g, b):
    m = x.mean(-1, keepdims=True)
    v = x.var(-1, keepdims=True)
    return (x - m) / jnp.sqrt(v + 1e-5) * g + b


def _mlp2(x, W1, b1, g, bn, W2, b2):
    h = x @ W1 + b1
    h = _ln(h, g, bn)
    h = jax.nn.relu(h)
    return h @ W2 + b2


def _mamba(u, p):
    B, L, _ = u.shape
    xz = u @ p['in_proj_W']
    di = xz.shape[-1] // 2
    xi, z = xz[..., :di], xz[..., di:]
    K = p['conv_W'].shape[1]
    xp = jnp.pad(xi, ((0, 0), (K - 1, 0), (0, 0)))
    conv = jnp.zeros_like(xi)
    for k in range(K):
        conv = conv + xp[:, k:k + L, :] * p['conv_W'][:, k]
    conv = conv + p['conv_b']
    xc = jax.nn.silu(conv)
    dr = p['dt_W'].shape[0]
    ds = p['A_log'].shape[1]
    dbc = xc @ p['x_proj_W']
    dt = jax.nn.softplus(dbc[..., :dr] @ p['dt_W'] + p['dt_b'])
    Bm = dbc[..., dr:dr + ds]
    Cm = dbc[..., dr + ds:]
    A = -jnp.exp(p['A_log'])
    h = jnp.zeros((B, di, ds), dtype=u.dtype)
    ys = []
    for t in range(L):
        dA = jnp.exp(dt[:, t, :, None] * A)
        h = dA * h + dt[:, t, :, None] * Bm[:, t, None, :] * xc[:, t, :, None]
        ys.append(jnp.einsum('bds,bs->bd', h, Cm[:, t]) + p['Dp'] * xc[:, t])
    y = jnp.stack(ys, axis=1)
    y = y * jax.nn.silu(z)
    return y @ p['out_proj_W']


def _forward(x, lpe, rwse, p, src, dst, batch, pos, Nmax, NG):
    N = x.shape[0]
    h = _mlp2(x, p['enc_W1'], p['enc_b1'], p['enc_g'], p['enc_bn'], p['enc_W2'], p['enc_b2'])
    x_orig = h
    xc = jnp.concatenate([h, lpe, rwse], axis=1)
    dense = jnp.zeros((NG, Nmax, xc.shape[1]), dtype=xc.dtype).at[batch, pos].set(xc)
    alpha = dense @ p['theta_W']
    alpha_X = jnp.einsum('bnk,bnd->bkd', alpha, dense)
    xm = _mamba(alpha_X, p)
    xm = _ln(xm, p['lnm_g'], p['lnm_b'])
    xm_node = xm[batch]
    merged = jnp.concatenate([x_orig, xm_node[:, -1, :]], axis=1) @ p['merge_W'] + p['merge_b']
    agg = jax.ops.segment_sum(merged[src], dst, num_segments=N)
    g = (merged + agg) @ p['gin2_W'] + p['gin2_b']
    pooled = jax.ops.segment_sum(g, batch, num_segments=NG)
    out = _mlp2(pooled, p['dec_W1'], p['dec_b1'], p['dec_g'], p['dec_bn'], p['dec_W2'], p['dec_b2'])
    return out


def setup_inputs(seed: int = 0):
    key = jax.random.key(seed)
    ks = jax.random.split(key, 24)
    N, E, D, H, NG = 10000, 160000, 256, 256, 16
    PE = 24
    OUT = 128
    dm = H + PE
    di = 2 * dm
    ds, dr, K, NVT = 128, 18, 4, 4

    def lin(k, i, o):
        return jax.random.normal(k, (i, o), dtype=jnp.float32) * 0.02

    x = jax.random.normal(ks[0], (N, D), dtype=jnp.float32)
    edge_index = jax.random.randint(ks[1], (2, E), 0, N)
    batch = jnp.sort(jax.random.randint(ks[2], (N,), 0, NG))
    lpe = jax.random.normal(ks[3], (N, 8), dtype=jnp.float32)
    rwse = jax.random.uniform(ks[4], (N, 16), dtype=jnp.float32)
    params = {
        'enc_W1': lin(ks[5], D, H), 'enc_b1': jnp.zeros(H), 'enc_g': jnp.ones(H), 'enc_bn': jnp.zeros(H),
        'enc_W2': lin(ks[6], H, H), 'enc_b2': jnp.zeros(H),
        'theta_W': lin(ks[7], dm, NVT),
        'in_proj_W': lin(ks[8], dm, 2 * di),
        'conv_W': lin(ks[9], di, K), 'conv_b': jnp.zeros(di),
        'x_proj_W': lin(ks[10], di, dr + 2 * ds),
        'dt_W': lin(ks[11], dr, di), 'dt_b': jnp.full((di,), 0.01, dtype=jnp.float32),
        'A_log': jnp.log(jnp.tile(jnp.arange(1, ds + 1, dtype=jnp.float32)[None, :], (di, 1))),
        'Dp': jnp.ones(di),
        'out_proj_W': lin(ks[12], di, dm),
        'lnm_g': jnp.ones(dm), 'lnm_b': jnp.zeros(dm),
        'merge_W': lin(ks[13], 2 * H + PE, H), 'merge_b': jnp.zeros(H),
        'gin2_W': lin(ks[14], H, H), 'gin2_b': jnp.zeros(H),
        'dec_W1': lin(ks[15], H, H), 'dec_b1': jnp.zeros(H), 'dec_g': jnp.ones(H), 'dec_bn': jnp.zeros(H),
        'dec_W2': lin(ks[16], H, OUT), 'dec_b2': jnp.zeros(OUT),
    }
    return {'x': x, 'edge_index': edge_index, 'batch': batch, 'laplacePE': lpe, 'rwse': rwse, 'params': params}


def reference(x, edge_index, batch, laplacePE, rwse, params):
    NG = 16
    N = x.shape[0]
    counts = jnp.bincount(batch, length=NG)
    starts = jnp.concatenate([jnp.zeros((1,), dtype=counts.dtype), jnp.cumsum(counts)[:-1]])
    pos = jnp.arange(N) - starts[batch]
    Nmax = N
    src, dst = edge_index[0], edge_index[1]
    return _forward(x, laplacePE, rwse, params, src, dst, batch, pos, Nmax, NG)

if __name__ == "__main__":
    import jax
    _d = setup_inputs()
    print(jax.jit(kernel)(*tuple(_d.values())))

</pallas_src>

<mosaic_0001>
#map = affine_map<(d0, d1) -> (0, 0)>
#map1 = affine_map<(d0, d1) -> (0)>
#map2 = affine_map<(d0, d1) -> (0, 0, 0)>
module attributes {stable_mosaic.version = 14 : i64} {
  func.func @k(%arg0: i32, %arg1: i32, %arg2: memref<1280x128xi32, #tpu.memory_space<hbm>>, %arg3: memref<163840xi32, #tpu.memory_space<hbm>>, %arg4: memref<10000xi32, #tpu.memory_space<hbm>>, %arg5: memref<2x10112x16xf32, #tpu.memory_space<hbm>>, %arg6: memref<40x128xi32, #tpu.memory_space<vmem>>, %arg7: memref<5120xi32, #tpu.memory_space<vmem>>, %arg8: memref<10000xi32, #tpu.memory_space<vmem>>, %arg9: memref<5120x16xf32, #tpu.memory_space<vmem>>, %arg10: memref<10112x16xf32, #tpu.memory_space<vmem_shared>>, %arg11: memref<!tpu.dma_semaphore, #tpu.memory_space<semaphore_mem>>) attributes {dimension_semantics = [#tpu.dimension_semantics<core_parallel>, #tpu.dimension_semantics<subcore_parallel>], iteration_bounds = array<i64: 2, 16>, scalar_prefetch = 0 : i64, scratch_operands = 6 : i64, tpu.core_type = #tpu.core_type<sc_vector_subcore>, window_params = [{transform_indices = #map}, {transform_indices = #map1}, {transform_indices = #map1}, {transform_indices = #map2}]} {
    %mul3A = arith.constant 16 : i32
    %mul3A_0 = arith.muli %arg0, %mul3A : i32
    %add3A = arith.addi %mul3A_0, %arg1 : i32
    %mul3A_1 = arith.constant 40 : i32
    %mul3A_2 = arith.muli %add3A, %mul3A_1 : i32
    "tpu.region"() ({
      %run_scoped3A = tpu.sem_alloc : memref<!tpu.dma_semaphore, #tpu.memory_space<semaphore_mem>>
      %dma_start3A = arith.constant 0 : i32
      %dma_start3A_42 = tpu.memref_slice %arg2[%mul3A_2, %dma_start3A] : memref<1280x128xi32, #tpu.memory_space<hbm>> -> memref<40x128xi32, #tpu.memory_space<hbm>>
      %dma_start3A_43 = arith.constant 0 : i32
      %dma_start3A_44 = tpu.memref_slice %arg2[%mul3A_2, %dma_start3A_43] : memref<1280x128xi32, #tpu.memory_space<hbm>> -> memref<40x128xi32, #tpu.memory_space<hbm>>
      tpu.enqueue_dma source(%dma_start3A_44 : memref<40x128xi32, #tpu.memory_space<hbm>>) target(%arg6 : memref<40x128xi32, #tpu.memory_space<vmem>>) target_semaphore(%run_scoped3A : memref<!tpu.dma_semaphore, #tpu.memory_space<semaphore_mem>>)
      %dma_wait3A = arith.constant 0 : i32
      %dma_wait3A_45 = tpu.memref_slice %arg2[%mul3A_2, %dma_wait3A] : memref<1280x128xi32, #tpu.memory_space<hbm>> -> memref<40x128xi32, #tpu.memory_space<hbm>>
      %dma_wait3A_46 = arith.constant 0 : i32
      %dma_wait3A_47 = tpu.memref_slice %arg2[%mul3A_2, %dma_wait3A_46] : memref<1280x128xi32, #tpu.memory_space<hbm>> -> memref<40x128xi32, #tpu.memory_space<hbm>>
      tpu.wait_dma2 semaphore(%run_scoped3A : memref<!tpu.dma_semaphore, #tpu.memory_space<semaphore_mem>>) src(%dma_wait3A_47 : memref<40x128xi32, #tpu.memory_space<hbm>>) dst(%arg6 : memref<40x128xi32, #tpu.memory_space<vmem>>)
      tpu.yield
    }) : () -> ()
    %mul3A_3 = arith.constant 5120 : i32
    %mul3A_4 = arith.muli %add3A, %mul3A_3 : i32
    "tpu.region"() ({
      %run_scoped3A = tpu.sem_alloc : memref<!tpu.dma_semaphore, #tpu.memory_space<semaphore_mem>>
      %dma_start3A = tpu.memref_slice %arg3[%mul3A_4] : memref<163840xi32, #tpu.memory_space<hbm>> -> memref<5120xi32, #tpu.memory_space<hbm>>
      %dma_start3A_42 = tpu.memref_slice %arg3[%mul3A_4] : memref<163840xi32, #tpu.memory_space<hbm>> -> memref<5120xi32, #tpu.memory_space<hbm>>
      tpu.enqueue_dma source(%dma_start3A_42 : memref<5120xi32, #tpu.memory_space<hbm>>) target(%arg7 : memref<5120xi32, #tpu.memory_space<vmem>>) target_semaphore(%run_scoped3A : memref<!tpu.dma_semaphore, #tpu.memory_space<semaphore_mem>>)
      %dma_wait3A = tpu.memref_slice %arg3[%mul3A_4] : memref<163840xi32, #tpu.memory_space<hbm>> -> memref<5120xi32, #tpu.memory_space<hbm>>
      %dma_wait3A_43 = tpu.memref_slice %arg3[%mul3A_4] : memref<163840xi32, #tpu.memory_space<hbm>> -> memref<5120xi32, #tpu.memory_space<hbm>>
      tpu.wait_dma2 semaphore(%run_scoped3A : memref<!tpu.dma_semaphore, #tpu.memory_space<semaphore_mem>>) src(%dma_wait3A_43 : memref<5120xi32, #tpu.memory_space<hbm>>) dst(%arg7 : memref<5120xi32, #tpu.memory_space<vmem>>)
      tpu.yield
    }) : () -> ()
    "tpu.region"() ({
      %run_scoped3A = tpu.sem_alloc : memref<!tpu.dma_semaphore, #tpu.memory_space<semaphore_mem>>
      tpu.enqueue_dma source(%arg4 : memref<10000xi32, #tpu.memory_space<hbm>>) target(%arg8 : memref<10000xi32, #tpu.memory_space<vmem>>) target_semaphore(%run_scoped3A : memref<!tpu.dma_semaphore, #tpu.memory_space<semaphore_mem>>)
      tpu.wait_dma2 semaphore(%run_scoped3A : memref<!tpu.dma_semaphore, #tpu.memory_space<semaphore_mem>>) src(%arg4 : memref<10000xi32, #tpu.memory_space<hbm>>) dst(%arg8 : memref<10000xi32, #tpu.memory_space<vmem>>)
      tpu.yield
    }) : () -> ()
    %broadcast_in_dim3A = arith.constant 0.000000e+00 : f32
    %broadcast_in_dim3A_5 = vector.broadcast %broadcast_in_dim3A : f32 to vector<16xf32>
    %scan3A = arith.constant 0 : i32
    %scan3A_6 = arith.constant 0 : i32
    %scan3A_7 = arith.constant 5120 : i32
    %scan3A_8 = arith.addi %scan3A_6, %scan3A_7 : i32
    %scan3A_9 = arith.constant 1 : i32
    %scan3A_10 = scf.for %scan3A_42 = %scan3A_6 to %scan3A_8 step %scan3A_9 iter_args(%scan3A_43 = %scan3A) -> (i32)  : i32 {
      %swap3A = arith.index_cast %scan3A_42 : i32 to index
      %swap3A_44 = arith.constant 0 : index
      %swap3A_45 = tpu.vector_load %arg9[%swap3A, %swap3A_44] {strides = array<i32>} : memref<5120x16xf32, #tpu.memory_space<vmem>>, vector<16xf32>,
      tpu.vector_store %arg9[%swap3A, %swap3A_44], %broadcast_in_dim3A_5 {strides = array<i32>} : memref<5120x16xf32, #tpu.memory_space<vmem>>, vector<16xf32>,
      %scan3A_46 = arith.constant 0 : i32
      scf.yield %scan3A_46 : i32
    }
    %scan3A_11 = arith.constant 5120 : i32
    %mul3A_12 = arith.constant 632 : i32
    %mul3A_13 = arith.muli %arg1, %mul3A_12 : i32
    "tpu.region"() ({
      %run_scoped3A = tpu.sem_alloc : memref<!tpu.dma_semaphore, #tpu.memory_space<semaphore_mem>>
      %dma_start3A = arith.constant 0 : i32
      %dma_start3A_42 = arith.constant 0 : i32
      %dma_start3A_43 = tpu.memref_slice %arg9[%dma_start3A, %dma_start3A_42] : memref<5120x16xf32, #tpu.memory_space<vmem>> -> memref<632x16xf32, #tpu.memory_space<vmem>>
      %dma_start3A_44 = arith.constant 0 : i32
      %dma_start3A_45 = tpu.memref_slice %arg10[%mul3A_13, %dma_start3A_44] : memref<10112x16xf32, #tpu.memory_space<vmem_shared>> -> memref<632x16xf32, #tpu.memory_space<vmem_shared>>
      %dma_start3A_46 = arith.constant 0 : i32
      %dma_start3A_47 = tpu.memref_slice %arg10[%mul3A_13, %dma_start3A_46] : memref<10112x16xf32, #tpu.memory_space<vmem_shared>> -> memref<632x16xf32, #tpu.memory_space<vmem_shared>>
      %dma_start3A_48 = arith.constant 0 : i32
      %dma_start3A_49 = arith.constant 0 : i32
      %dma_start3A_50 = tpu.memref_slice %arg9[%dma_start3A_48, %dma_start3A_49] : memref<5120x16xf32, #tpu.memory_space<vmem>> -> memref<632x16xf32, #tpu.memory_space<vmem>>
      tpu.enqueue_dma source(%dma_start3A_50 : memref<632x16xf32, #tpu.memory_space<vmem>>) target(%dma_start3A_47 : memref<632x16xf32, #tpu.memory_space<vmem_shared>>) target_semaphore(%run_scoped3A : memref<!tpu.dma_semaphore, #tpu.memory_space<semaphore_mem>>)
      %dma_wait3A = arith.constant 0 : i32
      %dma_wait3A_51 = arith.constant 0 : i32
      %dma_wait3A_52 = tpu.memref_slice %arg9[%dma_wait3A, %dma_wait3A_51] : memref<5120x16xf32, #tpu.memory_space<vmem>> -> memref<632x16xf32, #tpu.memory_space<vmem>>
      %dma_wait3A_53 = arith.constant 0 : i32
      %dma_wait3A_54 = tpu.memref_slice %arg10[%mul3A_13, %dma_wait3A_53] : memref<10112x16xf32, #tpu.memory_space<vmem_shared>> -> memref<632x16xf32, #tpu.memory_space<vmem_shared>>
      %dma_wait3A_55 = arith.constant 0 : i32
      %dma_wait3A_56 = tpu.memref_slice %arg10[%mul3A_13, %dma_wait3A_55] : memref<10112x16xf32, #tpu.memory_space<vmem_shared>> -> memref<632x16xf32, #tpu.memory_space<vmem_shared>>
      %dma_wait3A_57 = arith.constant 0 : i32
      %dma_wait3A_58 = arith.constant 0 : i32
      %dma_wait3A_59 = tpu.memref_slice %arg9[%dma_wait3A_57, %dma_wait3A_58] : memref<5120x16xf32, #tpu.memory_space<vmem>> -> memref<632x16xf32, #tpu.memory_space<vmem>>
      tpu.wait_dma2 semaphore(%run_scoped3A : memref<!tpu.dma_semaphore, #tpu.memory_space<semaphore_mem>>) src(%dma_wait3A_59 : memref<632x16xf32, #tpu.memory_space<vmem>>) dst(%dma_wait3A_56 : memref<632x16xf32, #tpu.memory_space<vmem_shared>>)
      tpu.yield
    }) : () -> ()
    %barrier3A = arith.constant 0 : index
    tpu.barrier barrier_id(%barrier3A)
    %broadcast_in_dim3A_14 = arith.constant 1.000000e+00 : f32
    %broadcast_in_dim3A_15 = vector.broadcast %broadcast_in_dim3A_14 : f32 to vector<16xf32>
    %iota3A = tpu.iota {dimensions = array<i32: 0>} : vector<16xi32>
    %scan3A_16 = arith.constant 0 : i32
    %scan3A_17 = arith.constant 0 : i32
    %scan3A_18 = arith.constant 320 : i32
    %scan3A_19 = arith.addi %scan3A_17, %scan3A_18 : i32
    %scan3A_20 = arith.constant 1 : i32
    %scan3A_21 = scf.for %scan3A_42 = %scan3A_17 to %scan3A_19 step %scan3A_20 iter_args(%scan3A_43 = %scan3A_16) -> (i32)  : i32 {
      %mul3A_44 = arith.constant 16 : i32
      %mul3A_45 = arith.muli %scan3A_42, %mul3A_44 : i32
      %get3A = arith.index_cast %mul3A_45 : i32 to index
      %get3A_46 = tpu.vector_load %arg7[%get3A] {strides = array<i32>} : memref<5120xi32, #tpu.memory_space<vmem>>, vector<16xi32>,
      %gather3A = tpu.vector_load_idx %arg8[%get3A_46] : memref<10000xi32, #tpu.memory_space<vmem>>[vector<16xi32>], vector<16xi32>,
      %mul3A_47 = arith.constant 16 : i32
      %mul3A_48 = arith.muli %scan3A_42, %mul3A_47 : i32
      %add3A_49 = vector.broadcast %mul3A_48 : i32 to vector<16xi32>
      %add3A_50 = arith.addi %add3A_49, %iota3A : vector<16xi32>
      tpu.vector_store_idx %arg9[%add3A_50, %gather3A], %broadcast_in_dim3A_15 : memref<5120x16xf32, #tpu.memory_space<vmem>>[vector<16xi32>, vector<16xi32>], vector<16xf32>,
      %scan3A_51 = arith.constant 0 : i32
      scf.yield %scan3A_51 : i32
    }
    %scan3A_22 = arith.constant 320 : i32
    %scan3A_23 = arith.constant 0 : i32
    %scan3A_24 = arith.constant 0 : i32
    %scan3A_25 = arith.constant 40 : i32
    %scan3A_26 = arith.addi %scan3A_24, %scan3A_25 : i32
    %scan3A_27 = arith.constant 1 : i32
    %scan3A_28 = scf.for %scan3A_42 = %scan3A_24 to %scan3A_26 step %scan3A_27 iter_args(%scan3A_43 = %scan3A_23) -> (i32)  : i32 {
      %mul3A_44 = arith.constant 128 : i32
      %mul3A_45 = arith.muli %scan3A_42, %mul3A_44 : i32
      %dma_start3A = arith.constant 0 : i32
      %dma_start3A_46 = tpu.memref_slice %arg9[%mul3A_45, %dma_start3A] : memref<5120x16xf32, #tpu.memory_space<vmem>> -> memref<128x16xf32, #tpu.memory_space<vmem>>
      %dma_start3A_47 = arith.constant 0 : i32
      %dma_start3A_48 = tpu.memref_slice %arg6[%scan3A_42, %dma_start3A_47] : memref<40x128xi32, #tpu.memory_space<vmem>> -> memref<1x128xi32, #tpu.memory_space<vmem>>
      %dma_start3A_49 = tpu.memref_squeeze %dma_start3A_48 : memref<1x128xi32, #tpu.memory_space<vmem>> -> memref<128xi32, #tpu.memory_space<vmem>>
      %dma_start3A_50 = arith.constant 0 : i32
      %dma_start3A_51 = arith.constant 0 : i32
      %dma_start3A_52 = tpu.memref_slice %arg10[%dma_start3A_50, %dma_start3A_51] : memref<10112x16xf32, #tpu.memory_space<vmem_shared>> -> memref<10112x16xf32, #tpu.memory_space<vmem_shared>>
      tpu.enqueue_indirect_dma source(%dma_start3A_46 : memref<128x16xf32, #tpu.memory_space<vmem>>) target(%dma_start3A_52 : memref<10112x16xf32, #tpu.memory_space<vmem_shared>>) offsets(%dma_start3A_49 : memref<128xi32, #tpu.memory_space<vmem>>) semaphore(%arg11 : memref<!tpu.dma_semaphore, #tpu.memory_space<semaphore_mem>>) {add = true}
      %scan3A_53 = arith.constant 0 : i32
      scf.yield %scan3A_53 : i32
    }
    %scan3A_29 = arith.constant 40 : i32
    %scan3A_30 = arith.constant 0 : i32
    %scan3A_31 = arith.constant 0 : i32
    %scan3A_32 = arith.constant 40 : i32
    %scan3A_33 = arith.addi %scan3A_31, %scan3A_32 : i32
    %scan3A_34 = arith.constant 1 : i32
    %scan3A_35 = scf.for %scan3A_42 = %scan3A_31 to %scan3A_33 step %scan3A_34 iter_args(%scan3A_43 = %scan3A_30) -> (i32)  : i32 {
      %mul3A_44 = arith.constant 128 : i32
      %mul3A_45 = arith.muli %scan3A_42, %mul3A_44 : i32
      %dma_wait3A = arith.constant 0 : i32
      %dma_wait3A_46 = tpu.memref_slice %arg9[%mul3A_45, %dma_wait3A] : memref<5120x16xf32, #tpu.memory_space<vmem>> -> memref<128x16xf32, #tpu.memory_space<vmem>>
      %dma_wait3A_47 = arith.constant 0 : i32
      %dma_wait3A_48 = tpu.memref_slice %arg6[%scan3A_42, %dma_wait3A_47] : memref<40x128xi32, #tpu.memory_space<vmem>> -> memref<1x128xi32, #tpu.memory_space<vmem>>
      %dma_wait3A_49 = tpu.memref_squeeze %dma_wait3A_48 : memref<1x128xi32, #tpu.memory_space<vmem>> -> memref<128xi32, #tpu.memory_space<vmem>>
      %dma_wait3A_50 = arith.constant 0 : i32
      %dma_wait3A_51 = arith.constant 0 : i32
      %dma_wait3A_52 = tpu.memref_slice %arg10[%dma_wait3A_50, %dma_wait3A_51] : memref<10112x16xf32, #tpu.memory_space<vmem_shared>> -> memref<10112x16xf32, #tpu.memory_space<vmem_shared>>
      tpu.wait_indirect_dma semaphore(%arg11 : memref<!tpu.dma_semaphore, #tpu.memory_space<semaphore_mem>>) src(%dma_wait3A_46 : memref<128x16xf32, #tpu.memory_space<vmem>>) dst(%dma_wait3A_52 : memref<10112x16xf32, #tpu.memory_space<vmem_shared>>)
      %scan3A_53 = arith.constant 0 : i32
      scf.yield %scan3A_53 : i32
    }
    %scan3A_36 = arith.constant 40 : i32
    %barrier3A_37 = arith.constant 0 : index
    tpu.barrier barrier_id(%barrier3A_37)
    %mul3A_38 = arith.constant 632 : i32
    %mul3A_39 = arith.muli %arg1, %mul3A_38 : i32
    "tpu.region"() ({
      %run_scoped3A = tpu.sem_alloc : memref<!tpu.dma_semaphore, #tpu.memory_space<semaphore_mem>>
      %dma_start3A = arith.constant 0 : i32
      %dma_start3A_42 = arith.constant 0 : i32
      %dma_start3A_43 = tpu.memref_slice %arg9[%dma_start3A, %dma_start3A_42] : memref<5120x16xf32, #tpu.memory_space<vmem>> -> memref<632x16xf32, #tpu.memory_space<vmem>>
      %dma_start3A_44 = arith.constant 0 : i32
      %dma_start3A_45 = tpu.memref_slice %arg10[%mul3A_39, %dma_start3A_44] : memref<10112x16xf32, #tpu.memory_space<vmem_shared>> -> memref<632x16xf32, #tpu.memory_space<vmem_shared>>
      %dma_start3A_46 = arith.constant 0 : i32
      %dma_start3A_47 = arith.constant 0 : i32
      %dma_start3A_48 = tpu.memref_slice %arg9[%dma_start3A_46, %dma_start3A_47] : memref<5120x16xf32, #tpu.memory_space<vmem>> -> memref<632x16xf32, #tpu.memory_space<vmem>>
      %dma_start3A_49 = arith.constant 0 : i32
      %dma_start3A_50 = tpu.memref_slice %arg10[%mul3A_39, %dma_start3A_49] : memref<10112x16xf32, #tpu.memory_space<vmem_shared>> -> memref<632x16xf32, #tpu.memory_space<vmem_shared>>
      tpu.enqueue_dma source(%dma_start3A_50 : memref<632x16xf32, #tpu.memory_space<vmem_shared>>) target(%dma_start3A_48 : memref<632x16xf32, #tpu.memory_space<vmem>>) target_semaphore(%run_scoped3A : memref<!tpu.dma_semaphore, #tpu.memory_space<semaphore_mem>>)
      %dma_wait3A = arith.constant 0 : i32
      %dma_wait3A_51 = arith.constant 0 : i32
      %dma_wait3A_52 = tpu.memref_slice %arg9[%dma_wait3A, %dma_wait3A_51] : memref<5120x16xf32, #tpu.memory_space<vmem>> -> memref<632x16xf32, #tpu.memory_space<vmem>>
      %dma_wait3A_53 = arith.constant 0 : i32
      %dma_wait3A_54 = tpu.memref_slice %arg10[%mul3A_39, %dma_wait3A_53] : memref<10112x16xf32, #tpu.memory_space<vmem_shared>> -> memref<632x16xf32, #tpu.memory_space<vmem_shared>>
      %dma_wait3A_55 = arith.constant 0 : i32
      %dma_wait3A_56 = arith.constant 0 : i32
      %dma_wait3A_57 = tpu.memref_slice %arg9[%dma_wait3A_55, %dma_wait3A_56] : memref<5120x16xf32, #tpu.memory_space<vmem>> -> memref<632x16xf32, #tpu.memory_space<vmem>>
      %dma_wait3A_58 = arith.constant 0 : i32
      %dma_wait3A_59 = tpu.memref_slice %arg10[%mul3A_39, %dma_wait3A_58] : memref<10112x16xf32, #tpu.memory_space<vmem_shared>> -> memref<632x16xf32, #tpu.memory_space<vmem_shared>>
      tpu.wait_dma2 semaphore(%run_scoped3A : memref<!tpu.dma_semaphore, #tpu.memory_space<semaphore_mem>>) src(%dma_wait3A_59 : memref<632x16xf32, #tpu.memory_space<vmem_shared>>) dst(%dma_wait3A_57 : memref<632x16xf32, #tpu.memory_space<vmem>>)
      tpu.yield
    }) : () -> ()
    %mul3A_40 = arith.constant 632 : i32
    %mul3A_41 = arith.muli %arg1, %mul3A_40 : i32
    "tpu.region"() ({
      %run_scoped3A = tpu.sem_alloc : memref<!tpu.dma_semaphore, #tpu.memory_space<semaphore_mem>>
      %dma_start3A = arith.constant 0 : i32
      %dma_start3A_42 = arith.constant 0 : i32
      %dma_start3A_43 = tpu.memref_slice %arg9[%dma_start3A, %dma_start3A_42] : memref<5120x16xf32, #tpu.memory_space<vmem>> -> memref<632x16xf32, #tpu.memory_space<vmem>>
      %dma_start3A_44 = arith.constant 0 : i32
      %dma_start3A_45 = tpu.memref_slice %arg5[%arg0, %mul3A_41, %dma_start3A_44] : memref<2x10112x16xf32, #tpu.memory_space<hbm>> -> memref<1x632x16xf32, #tpu.memory_space<hbm>>
      %dma_start3A_46 = tpu.memref_squeeze %dma_start3A_45 : memref<1x632x16xf32, #tpu.memory_space<hbm>> -> memref<632x16xf32, #tpu.memory_space<hbm>>
      %dma_start3A_47 = arith.constant 0 : i32
      %dma_start3A_48 = tpu.memref_slice %arg5[%arg0, %mul3A_41, %dma_start3A_47] : memref<2x10112x16xf32, #tpu.memory_space<hbm>> -> memref<1x632x16xf32, #tpu.memory_space<hbm>>
      %dma_start3A_49 = tpu.memref_squeeze %dma_start3A_48 : memref<1x632x16xf32, #tpu.memory_space<hbm>> -> memref<632x16xf32, #tpu.memory_space<hbm>>
      %dma_start3A_50 = arith.constant 0 : i32
      %dma_start3A_51 = arith.constant 0 : i32
      %dma_start3A_52 = tpu.memref_slice %arg9[%dma_start3A_50, %dma_start3A_51] : memref<5120x16xf32, #tpu.memory_space<vmem>> -> memref<632x16xf32, #tpu.memory_space<vmem>>
      tpu.enqueue_dma source(%dma_start3A_52 : memref<632x16xf32, #tpu.memory_space<vmem>>) target(%dma_start3A_49 : memref<632x16xf32, #tpu.memory_space<hbm>>) target_semaphore(%run_scoped3A : memref<!tpu.dma_semaphore, #tpu.memory_space<semaphore_mem>>)
      %dma_wait3A = arith.constant 0 : i32
      %dma_wait3A_53 = arith.constant 0 : i32
      %dma_wait3A_54 = tpu.memref_slice %arg9[%dma_wait3A, %dma_wait3A_53] : memref<5120x16xf32, #tpu.memory_space<vmem>> -> memref<632x16xf32, #tpu.memory_space<vmem>>
      %dma_wait3A_55 = arith.constant 0 : i32
      %dma_wait3A_56 = tpu.memref_slice %arg5[%arg0, %mul3A_41, %dma_wait3A_55] : memref<2x10112x16xf32, #tpu.memory_space<hbm>> -> memref<1x632x16xf32, #tpu.memory_space<hbm>>
      %dma_wait3A_57 = tpu.memref_squeeze %dma_wait3A_56 : memref<1x632x16xf32, #tpu.memory_space<hbm>> -> memref<632x16xf32, #tpu.memory_space<hbm>>
      %dma_wait3A_58 = arith.constant 0 : i32
      %dma_wait3A_59 = tpu.memref_slice %arg5[%arg0, %mul3A_41, %dma_wait3A_58] : memref<2x10112x16xf32, #tpu.memory_space<hbm>> -> memref<1x632x16xf32, #tpu.memory_space<hbm>>
      %dma_wait3A_60 = tpu.memref_squeeze %dma_wait3A_59 : memref<1x632x16xf32, #tpu.memory_space<hbm>> -> memref<632x16xf32, #tpu.memory_space<hbm>>
      %dma_wait3A_61 = arith.constant 0 : i32
      %dma_wait3A_62 = arith.constant 0 : i32
      %dma_wait3A_63 = tpu.memref_slice %arg9[%dma_wait3A_61, %dma_wait3A_62] : memref<5120x16xf32, #tpu.memory_space<vmem>> -> memref<632x16xf32, #tpu.memory_space<vmem>>
      tpu.wait_dma2 semaphore(%run_scoped3A : memref<!tpu.dma_semaphore, #tpu.memory_space<semaphore_mem>>) src(%dma_wait3A_63 : memref<632x16xf32, #tpu.memory_space<vmem>>) dst(%dma_wait3A_60 : memref<632x16xf32, #tpu.memory_space<hbm>>)
      tpu.yield
    }) : () -> ()
    return
  }
}

module attributes {stable_mosaic.version = 14 : i64} {
  func.func @_enc_body(%arg0: i32, %arg1: memref<2000x256xf32, #tpu.memory_space<vmem>>, %arg2: memref<2000x1xi32, #tpu.memory_space<vmem>>, %arg3: memref<2000x8xf32, #tpu.memory_space<vmem>>, %arg4: memref<2000x16xf32, #tpu.memory_space<vmem>>, %arg5: memref<256x256xf32, #tpu.memory_space<vmem>>, %arg6: memref<1x256xf32, #tpu.memory_space<vmem>>, %arg7: memref<1x256xf32, #tpu.memory_space<vmem>>, %arg8: memref<1x256xf32, #tpu.memory_space<vmem>>, %arg9: memref<256x256xf32, #tpu.memory_space<vmem>>, %arg10: memref<1x256xf32, #tpu.memory_space<vmem>>, %arg11: memref<256x64xf32, #tpu.memory_space<vmem>>, %arg12: memref<8x64xf32, #tpu.memory_space<vmem>>, %arg13: memref<16x64xf32, #tpu.memory_space<vmem>>, %arg14: memref<2000x256xf32, #tpu.memory_space<vmem>>, %arg15: memref<64x256xf32, #tpu.memory_space<vmem>>, %arg16: memref<64x8xf32, #tpu.memory_space<vmem>>, %arg17: memref<64x16xf32, #tpu.memory_space<vmem>>, %arg18: memref<16x256xf32, #tpu.memory_space<vmem>>, %arg19: memref<16x1xf32, #tpu.memory_space<vmem>>) attributes {dimension_semantics = [#tpu.dimension_semantics<arbitrary>], iteration_bounds = array<i64: 5>, scalar_prefetch = 0 : i64, scratch_operands = 0 : i64, tpu.core_type = #tpu.core_type<tc>, window_params = [{transform_indices = @transform_0, window_bounds = array<i64: 2000, 256>}, {transform_indices = @transform_1, window_bounds = array<i64: 2000, 1>}, {transform_indices = @transform_2, window_bounds = array<i64: 2000, 8>}, {transform_indices = @transform_3, window_bounds = array<i64: 2000, 16>}, {pipeline_mode = #tpu.pipeline_mode<synchronous>, transform_indices = @transform_4, window_bounds = array<i64: 256, 256>}, {pipeline_mode = #tpu.pipeline_mode<synchronous>, transform_indices = @transform_5, window_bounds = array<i64: 1, 256>}, {pipeline_mode = #tpu.pipeline_mode<synchronous>, transform_indices = @transform_6, window_bounds = array<i64: 1, 256>}, {pipeline_mode = #tpu.pipeline_mode<synchronous>, transform_indices = @transform_7, window_bounds = array<i64: 1, 256>}, {pipeline_mode = #tpu.pipeline_mode<synchronous>, transform_indices = @transform_8, window_bounds = array<i64: 256, 256>}, {pipeline_mode = #tpu.pipeline_mode<synchronous>, transform_indices = @transform_9, window_bounds = array<i64: 1, 256>}, {pipeline_mode = #tpu.pipeline_mode<synchronous>, transform_indices = @transform_10, window_bounds = array<i64: 256, 64>}, {pipeline_mode = #tpu.pipeline_mode<synchronous>, transform_indices = @transform_11, window_bounds = array<i64: 8, 64>}, {pipeline_mode = #tpu.pipeline_mode<synchronous>, transform_indices = @transform_12, window_bounds = array<i64: 16, 64>}, {transform_indices = @transform_13, window_bounds = array<i64: 2000, 256>}, {pipeline_mode = #tpu.pipeline_mode<synchronous>, transform_indices = @transform_14, window_bounds = array<i64: 64, 256>}, {pipeline_mode = #tpu.pipeline_mode<synchronous>, transform_indices = @transform_15, window_bounds = array<i64: 64, 8>}, {pipeline_mode = #tpu.pipeline_mode<synchronous>, transform_indices = @transform_16, window_bounds = array<i64: 64, 16>}, {pipeline_mode = #tpu.pipeline_mode<synchronous>, transform_indices = @transform_17, window_bounds = array<i64: 16, 256>}, {pipeline_mode = #tpu.pipeline_mode<synchronous>, transform_indices = @transform_18, window_bounds = array<i64: 16, 1>}]} {
    %get3A = arith.constant 0 : index
    %get3A_0 = arith.constant 0 : index
    %get3A_1 = vector.load %arg1[%get3A, %get3A_0] : memref<2000x256xf32, #tpu.memory_space<vmem>>, vector<2000x256xf32>
    %get3A_2 = arith.constant 0 : index
    %get3A_3 = arith.constant 0 : index
    %get3A_4 = vector.load %arg5[%get3A_2, %get3A_3] : memref<256x256xf32, #tpu.memory_space<vmem>>, vector<256x256xf32>
    %dot_general3A = arith.constant dense<0.000000e+00> : vector<2000x256xf32>
    %dot_general3A_5 = tpu.matmul %get3A_1, %get3A_4, %dot_general3A {dimension_numbers = #tpu.dot_dimension_numbers<[1], [0], [0], [1], [0, 0, 1, 1], [], []>, transpose_lhs_hint = false} : vector<2000x256xf32>, vector<256x256xf32>, vector<2000x256xf32> -> vector<2000x256xf32>
    %get3A_6 = arith.constant 0 : index
    %get3A_7 = arith.constant 0 : index
    %get3A_8 = vector.load %arg6[%get3A_6, %get3A_7] : memref<1x256xf32, #tpu.memory_space<vmem>>, vector<1x256xf32>
    %add3A = vector.broadcast %get3A_8 : vector<1x256xf32> to vector<2000x256xf32>
    %add3A_9 = arith.addf %dot_general3A_5, %add3A : vector<2000x256xf32>
    %get3A_10 = arith.constant 0 : index
    %get3A_11 = arith.constant 0 : index
    %get3A_12 = vector.load %arg7[%get3A_10, %get3A_11] : memref<1x256xf32, #tpu.memory_space<vmem>>, vector<1x256xf32>
    %get3A_13 = arith.constant 0 : index
    %get3A_14 = arith.constant 0 : index
    %get3A_15 = vector.load %arg8[%get3A_13, %get3A_14] : memref<1x256xf32, #tpu.memory_space<vmem>>, vector<1x256xf32>
    %reduce_sum3A = arith.constant dense<0.000000e+00> : vector<2000xf32>
    %reduce_sum3A_16 = vector.multi_reduction <add>, %add3A_9, %reduce_sum3A [1] : vector<2000x256xf32> to vector<2000xf32>
    %broadcast_in_dim3A = vector.shape_cast %reduce_sum3A_16 : vector<2000xf32> to vector<2000x1xf32>
    %div3A = arith.constant 2.560000e+02 : f32
    %div3A_17 = vector.broadcast %div3A : f32 to vector<2000x1xf32>
    %div3A_18 = arith.divf %broadcast_in_dim3A, %div3A_17 : vector<2000x1xf32>
    %jit3A = arith.constant 0 : i32
    %reduce_sum3A_19 = arith.constant dense<0.000000e+00> : vector<2000xf32>
    %reduce_sum3A_20 = vector.multi_reduction <add>, %add3A_9, %reduce_sum3A_19 [1] : vector<2000x256xf32> to vector<2000xf32>
    %broadcast_in_dim3A_21 = vector.shape_cast %reduce_sum3A_20 : vector<2000xf32> to vector<2000x1xf32>
    %div3A_22 = arith.constant 2.560000e+02 : f32
    %div3A_23 = vector.broadcast %div3A_22 : f32 to vector<2000x1xf32>
    %div3A_24 = arith.divf %broadcast_in_dim3A_21, %div3A_23 : vector<2000x1xf32>
    %sub3A = vector.broadcast %div3A_24 : vector<2000x1xf32> to vector<2000x256xf32>
    %sub3A_25 = arith.subf %add3A_9, %sub3A : vector<2000x256xf32>
    %square3A = arith.mulf %sub3A_25, %sub3A_25 : vector<2000x256xf32>
    %convert_element_type3A = arith.sitofp %jit3A : i32 to f32
    %sub3A_26 = arith.constant 2.560000e+02 : f32
    %sub3A_27 = arith.subf %sub3A_26, %convert_element_type3A : f32
    %reduce_sum3A_28 = arith.constant dense<0.000000e+00> : vector<2000xf32>
    %reduce_sum3A_29 = vector.multi_reduction <add>, %square3A, %reduce_sum3A_28 [1] : vector<2000x256xf32> to vector<2000xf32>
    %broadcast_in_dim3A_30 = vector.shape_cast %reduce_sum3A_29 : vector<2000xf32> to vector<2000x1xf32>
    %div3A_31 = vector.broadcast %sub3A_27 : f32 to vector<2000x1xf32>
    %div3A_32 = arith.divf %broadcast_in_dim3A_30, %div3A_31 : vector<2000x1xf32>
    %gt3A = arith.constant 0.000000e+00 : f32
    %gt3A_33 = arith.cmpf ogt, %sub3A_27, %gt3A : f32
    %jit3A_34 = arith.constant 0x7FC00000 : f32
    %broadcast_in_dim3A_35 = vector.broadcast %jit3A_34 : f32 to vector<2000x1xf32>
    %select_n3A = arith.select %gt3A_33, %div3A_32, %broadcast_in_dim3A_35 : vector<2000x1xf32>
    %sub3A_36 = vector.broadcast %div3A_18 : vector<2000x1xf32> to vector<2000x256xf32>
    %sub3A_37 = arith.subf %add3A_9, %sub3A_36 : vector<2000x256xf32>
    %add3A_38 = arith.constant 9.99999974E-6 : f32
    %add3A_39 = vector.broadcast %add3A_38 : f32 to vector<2000x1xf32>
    %add3A_40 = arith.addf %select_n3A, %add3A_39 : vector<2000x1xf32>
    %sqrt3A = math.sqrt %add3A_40 : vector<2000x1xf32>
    %div3A_41 = vector.broadcast %sqrt3A : vector<2000x1xf32> to vector<2000x256xf32>
    %div3A_42 = arith.divf %sub3A_37, %div3A_41 : vector<2000x256xf32>
    %mul3A = vector.broadcast %get3A_12 : vector<1x256xf32> to vector<2000x256xf32>
    %mul3A_43 = arith.mulf %div3A_42, %mul3A : vector<2000x256xf32>
    %add3A_44 = vector.broadcast %get3A_15 : vector<1x256xf32> to vector<2000x256xf32>
    %add3A_45 = arith.addf %mul3A_43, %add3A_44 : vector<2000x256xf32>
    %max3A = arith.constant 0.000000e+00 : f32
    %max3A_46 = vector.broadcast %max3A : f32 to vector<2000x256xf32>
    %max3A_47 = arith.maximumf %add3A_45, %max3A_46 : vector<2000x256xf32>
    %get3A_48 = arith.constant 0 : index
    %get3A_49 = arith.constant 0 : index
    %get3A_50 = vector.load %arg9[%get3A_48, %get3A_49] : memref<256x256xf32, #tpu.memory_space<vmem>>, vector<256x256xf32>
    %dot_general3A_51 = arith.constant dense<0.000000e+00> : vector<2000x256xf32>
    %dot_general3A_52 = tpu.matmul %max3A_47, %get3A_50, %dot_general3A_51 {dimension_numbers = #tpu.dot_dimension_numbers<[1], [0], [0], [1], [0, 0, 1, 1], [], []>, transpose_lhs_hint = false} : vector<2000x256xf32>, vector<256x256xf32>, vector<2000x256xf32> -> vector<2000x256xf32>
    %get3A_53 = arith.constant 0 : index
    %get3A_54 = arith.constant 0 : index
    %get3A_55 = vector.load %arg10[%get3A_53, %get3A_54] : memref<1x256xf32, #tpu.memory_space<vmem>>, vector<1x256xf32>
    %add3A_56 = vector.broadcast %get3A_55 : vector<1x256xf32> to vector<2000x256xf32>
    %add3A_57 = arith.addf %dot_general3A_52, %add3A_56 : vector<2000x256xf32>
    %swap3A = arith.constant 0 : index
    %swap3A_58 = arith.constant 0 : index
    %swap3A_59 = vector.load %arg14[%swap3A, %swap3A_58] : memref<2000x256xf32, #tpu.memory_space<vmem>>, vector<2000x256xf32>
    tpu.vector_store %arg14[%swap3A, %swap3A_58], %add3A_57 {strides = array<i32>} : memref<2000x256xf32, #tpu.memory_space<vmem>>, vector<2000x256xf32>,
    %get3A_60 = arith.constant 0 : index
    %get3A_61 = arith.constant 0 : index
    %get3A_62 = vector.load %arg3[%get3A_60, %get3A_61] : memref<2000x8xf32, #tpu.memory_space<vmem>>, vector<2000x8xf32>
    %get3A_63 = arith.constant 0 : index
    %get3A_64 = arith.constant 0 : index
    %get3A_65 = vector.load %arg4[%get3A_63, %get3A_64] : memref<2000x16xf32, #tpu.memory_space<vmem>>, vector<2000x16xf32>
    %get3A_66 = arith.constant 0 : index
    %get3A_67 = arith.constant 0 : index
    %get3A_68 = vector.load %arg11[%get3A_66, %get3A_67] : memref<256x64xf32, #tpu.memory_space<vmem>>, vector<256x64xf32>
    %dot_general3A_69 = arith.constant dense<0.000000e+00> : vector<2000x64xf32>
    %dot_general3A_70 = tpu.matmul %add3A_57, %get3A_68, %dot_general3A_69 {dimension_numbers = #tpu.dot_dimension_numbers<[1], [0], [0], [1], [0, 0, 1, 1], [], []>, transpose_lhs_hint = false} : vector<2000x256xf32>, vector<256x64xf32>, vector<2000x64xf32> -> vector<2000x64xf32>
    %get3A_71 = arith.constant 0 : index
    %get3A_72 = arith.constant 0 : index
    %get3A_73 = vector.load %arg12[%get3A_71, %get3A_72] : memref<8x64xf32, #tpu.memory_space<vmem>>, vector<8x64xf32>
    %dot_general3A_74 = arith.constant dense<0.000000e+00> : vector<2000x64xf32>
    %dot_general3A_75 = tpu.matmul %get3A_62, %get3A_73, %dot_general3A_74 {dimension_numbers = #tpu.dot_dimension_numbers<[1], [0], [0], [1], [0, 0, 1, 1], [], []>, transpose_lhs_hint = false} : vector<2000x8xf32>, vector<8x64xf32>, vector<2000x64xf32> -> vector<2000x64xf32>
    %add3A_76 = arith.addf %dot_general3A_70, %dot_general3A_75 : vector<2000x64xf32>
    %get3A_77 = arith.constant 0 : index
    %get3A_78 = arith.constant 0 : index
    %get3A_79 = vector.load %arg13[%get3A_77, %get3A_78] : memref<16x64xf32, #tpu.memory_space<vmem>>, vector<16x64xf32>
    %dot_general3A_80 = arith.constant dense<0.000000e+00> : vector<2000x64xf32>
    %dot_general3A_81 = tpu.matmul %get3A_65, %get3A_79, %dot_general3A_80 {dimension_numbers = #tpu.dot_dimension_numbers<[1], [0], [0], [1], [0, 0, 1, 1], [], []>, transpose_lhs_hint = false} : vector<2000x16xf32>, vector<16x64xf32>, vector<2000x64xf32> -> vector<2000x64xf32>
    %add3A_82 = arith.addf %add3A_76, %dot_general3A_81 : vector<2000x64xf32>
    %iota3A = tpu.iota {dimensions = array<i32: 1>} : vector<1x64xi32>
    %jit3A_83 = arith.constant 4 : i32
    %div3A_84 = vector.broadcast %jit3A_83 : i32 to vector<1x64xi32>
    %div3A_85 = arith.divsi %iota3A, %div3A_84 : vector<1x64xi32>
    %sign3A = arith.constant 0 : i32
    %sign3A_86 = vector.broadcast %sign3A : i32 to vector<1x64xi32>
    %sign3A_87 = arith.cmpi sgt, %iota3A, %sign3A_86 : vector<1x64xi32>
    %sign3A_88 = arith.extui %sign3A_87 : vector<1x64xi1> to vector<1x64xi32>
    %sign3A_89 = arith.constant 0 : i32
    %sign3A_90 = vector.broadcast %sign3A_89 : i32 to vector<1x64xi32>
    %sign3A_91 = arith.cmpi slt, %iota3A, %sign3A_90 : vector<1x64xi32>
    %sign3A_92 = arith.extui %sign3A_91 : vector<1x64xi1> to vector<1x64xi32>
    %sign3A_93 = arith.subi %sign3A_88, %sign3A_92 : vector<1x64xi32>
    %sign3A_94 = arith.constant 0 : i32
    %sign3A_95 = arith.cmpi sgt, %jit3A_83, %sign3A_94 : i32
    %sign3A_96 = arith.extui %sign3A_95 : i1 to i32
    %sign3A_97 = arith.constant 0 : i32
    %sign3A_98 = arith.cmpi slt, %jit3A_83, %sign3A_97 : i32
    %sign3A_99 = arith.extui %sign3A_98 : i1 to i32
    %sign3A_100 = arith.subi %sign3A_96, %sign3A_99 : i32
    %ne3A = vector.broadcast %sign3A_100 : i32 to vector<1x64xi32>
    %ne3A_101 = arith.cmpi ne, %sign3A_93, %ne3A : vector<1x64xi32>
    %rem3A = vector.broadcast %jit3A_83 : i32 to vector<1x64xi32>
    %rem3A_102 = arith.remsi %iota3A, %rem3A : vector<1x64xi32>
    %ne3A_103 = arith.constant 0 : i32
    %ne3A_104 = vector.broadcast %ne3A_103 : i32 to vector<1x64xi32>
    %ne3A_105 = arith.cmpi ne, %rem3A_102, %ne3A_104 : vector<1x64xi32>
    %and3A = arith.andi %ne3A_101, %ne3A_105 : vector<1x64xi1>
    %sub3A_106 = arith.constant 1 : i32
    %sub3A_107 = vector.broadcast %sub3A_106 : i32 to vector<1x64xi32>
    %sub3A_108 = arith.subi %div3A_85, %sub3A_107 : vector<1x64xi32>
    %select_n3A_109 = arith.select %and3A, %sub3A_108, %div3A_85 : vector<1x64xi1>, vector<1x64xi32>
    %get3A_110 = arith.constant 0 : index
    %get3A_111 = arith.constant 0 : index
    %get3A_112 = vector.load %arg2[%get3A_110, %get3A_111] : memref<2000x1xi32, #tpu.memory_space<vmem>>, vector<2000x1xi32>
    %eq3A = vector.broadcast %get3A_112 : vector<2000x1xi32> to vector<2000x64xi32>
    %eq3A_113 = vector.broadcast %select_n3A_109 : vector<1x64xi32> to vector<2000x64xi32>
    %eq3A_114 = arith.cmpi eq, %eq3A, %eq3A_113 : vector<2000x64xi32>
    %convert_element_type3A_115 = arith.extui %eq3A_114 : vector<2000x64xi1> to vector<2000x64xi32>
    %convert_element_type3A_116 = arith.sitofp %convert_element_type3A_115 : vector<2000x64xi32> to vector<2000x64xf32>
    %mul3A_117 = arith.mulf %add3A_82, %convert_element_type3A_116 : vector<2000x64xf32>
    %iota3A_118 = tpu.iota {dimensions = array<i32: 1>} : vector<1x16xi32>
    %get3A_119 = arith.constant 0 : index
    %get3A_120 = arith.constant 0 : index
    %get3A_121 = vector.load %arg2[%get3A_119, %get3A_120] : memref<2000x1xi32, #tpu.memory_space<vmem>>, vector<2000x1xi32>
    %eq3A_122 = vector.broadcast %get3A_121 : vector<2000x1xi32> to vector<2000x16xi32>
    %eq3A_123 = vector.broadcast %iota3A_118 : vector<1x16xi32> to vector<2000x16xi32>
    %eq3A_124 = arith.cmpi eq, %eq3A_122, %eq3A_123 : vector<2000x16xi32>
    %convert_element_type3A_125 = arith.extui %eq3A_124 : vector<2000x16xi1> to vector<2000x16xi32>
    %convert_element_type3A_126 = arith.sitofp %convert_element_type3A_125 : vector<2000x16xi32> to vector<2000x16xf32>
    %eq3A_127 = arith.constant 0 : i32
    %eq3A_128 = arith.cmpi eq, %arg0, %eq3A_127 : i32
    %convert_element_type3A_129 = arith.extui %eq3A_128 : i1 to i32
    %cond3A = arith.constant 0 : i32
    %cond3A_130 = arith.cmpi ne, %convert_element_type3A_129, %cond3A : i32
    scf.if %cond3A_130 {
      %broadcast_in_dim3A_178 = arith.constant 0.000000e+00 : f32
      %broadcast_in_dim3A_179 = vector.broadcast %broadcast_in_dim3A_178 : f32 to vector<64x256xf32>
      %swap3A_180 = arith.constant 0 : index
      %swap3A_181 = arith.constant 0 : index
      %swap3A_182 = vector.load %arg15[%swap3A_180, %swap3A_181] : memref<64x256xf32, #tpu.memory_space<vmem>>, vector<64x256xf32>
      tpu.vector_store %arg15[%swap3A_180, %swap3A_181], %broadcast_in_dim3A_179 {strides = array<i32>} : memref<64x256xf32, #tpu.memory_space<vmem>>, vector<64x256xf32>,
      %broadcast_in_dim3A_183 = arith.constant 0.000000e+00 : f32
      %broadcast_in_dim3A_184 = vector.broadcast %broadcast_in_dim3A_183 : f32 to vector<64x8xf32>
      %swap3A_185 = arith.constant 0 : index
      %swap3A_186 = arith.constant 0 : index
      %swap3A_187 = vector.load %arg16[%swap3A_185, %swap3A_186] : memref<64x8xf32, #tpu.memory_space<vmem>>, vector<64x8xf32>
      tpu.vector_store %arg16[%swap3A_185, %swap3A_186], %broadcast_in_dim3A_184 {strides = array<i32>} : memref<64x8xf32, #tpu.memory_space<vmem>>, vector<64x8xf32>,
      %broadcast_in_dim3A_188 = arith.constant 0.000000e+00 : f32
      %broadcast_in_dim3A_189 = vector.broadcast %broadcast_in_dim3A_188 : f32 to vector<64x16xf32>
      %swap3A_190 = arith.constant 0 : index
      %swap3A_191 = arith.constant 0 : index
      %swap3A_192 = vector.load %arg17[%swap3A_190, %swap3A_191] : memref<64x16xf32, #tpu.memory_space<vmem>>, vector<64x16xf32>
      tpu.vector_store %arg17[%swap3A_190, %swap3A_191], %broadcast_in_dim3A_189 {strides = array<i32>} : memref<64x16xf32, #tpu.memory_space<vmem>>, vector<64x16xf32>,
      %broadcast_in_dim3A_193 = arith.constant 0.000000e+00 : f32
      %broadcast_in_dim3A_194 = vector.broadcast %broadcast_in_dim3A_193 : f32 to vector<16x256xf32>
      %swap3A_195 = arith.constant 0 : index
      %swap3A_196 = arith.constant 0 : index
      %swap3A_197 = vector.load %arg18[%swap3A_195, %swap3A_196] : memref<16x256xf32, #tpu.memory_space<vmem>>, vector<16x256xf32>
      tpu.vector_store %arg18[%swap3A_195, %swap3A_196], %broadcast_in_dim3A_194 {strides = array<i32>} : memref<16x256xf32, #tpu.memory_space<vmem>>, vector<16x256xf32>,
      %broadcast_in_dim3A_198 = arith.constant 0.000000e+00 : f32
      %broadcast_in_dim3A_199 = vector.broadcast %broadcast_in_dim3A_198 : f32 to vector<16x1xf32>
      %swap3A_200 = arith.constant 0 : index
      %swap3A_201 = arith.constant 0 : index
      %swap3A_202 = vector.load %arg19[%swap3A_200, %swap3A_201] : memref<16x1xf32, #tpu.memory_space<vmem>>, vector<16x1xf32>
      tpu.vector_store %arg19[%swap3A_200, %swap3A_201], %broadcast_in_dim3A_199 {strides = array<i32>} : memref<16x1xf32, #tpu.memory_space<vmem>>, vector<16x1xf32>,
    } else {
    }
    %get3A_131 = arith.constant 0 : index
    %get3A_132 = arith.constant 0 : index
    %get3A_133 = vector.load %arg15[%get3A_131, %get3A_132] : memref<64x256xf32, #tpu.memory_space<vmem>>, vector<64x256xf32>
    %dot_general3A_134 = arith.constant dense<0.000000e+00> : vector<64x256xf32>
    %dot_general3A_135 = tpu.matmul %mul3A_117, %add3A_57, %dot_general3A_134 {dimension_numbers = #tpu.dot_dimension_numbers<[0], [0], [1], [1], [0, 1, 1, 1], [], []>, transpose_lhs_hint = false} : vector<2000x64xf32>, vector<2000x256xf32>, vector<64x256xf32> -> vector<64x256xf32>
    %add3A_136 = arith.addf %get3A_133, %dot_general3A_135 : vector<64x256xf32>
    %swap3A_137 = arith.constant 0 : index
    %swap3A_138 = arith.constant 0 : index
    %swap3A_139 = vector.load %arg15[%swap3A_137, %swap3A_138] : memref<64x256xf32, #tpu.memory_space<vmem>>, vector<64x256xf32>
    tpu.vector_store %arg15[%swap3A_137, %swap3A_138], %add3A_136 {strides = array<i32>} : memref<64x256xf32, #tpu.memory_space<vmem>>, vector<64x256xf32>,
    %get3A_140 = arith.constant 0 : index
    %get3A_141 = arith.constant 0 : index
    %get3A_142 = vector.load %arg16[%get3A_140, %get3A_141] : memref<64x8xf32, #tpu.memory_space<vmem>>, vector<64x8xf32>
    %dot_general3A_143 = arith.constant dense<0.000000e+00> : vector<64x8xf32>
    %dot_general3A_144 = tpu.matmul %mul3A_117, %get3A_62, %dot_general3A_143 {dimension_numbers = #tpu.dot_dimension_numbers<[0], [0], [1], [1], [0, 1, 1, 1], [], []>, transpose_lhs_hint = false} : vector<2000x64xf32>, vector<2000x8xf32>, vector<64x8xf32> -> vector<64x8xf32>
    %add3A_145 = arith.addf %get3A_142, %dot_general3A_144 : vector<64x8xf32>
    %swap3A_146 = arith.constant 0 : index
    %swap3A_147 = arith.constant 0 : index
    %swap3A_148 = vector.load %arg16[%swap3A_146, %swap3A_147] : memref<64x8xf32, #tpu.memory_space<vmem>>, vector<64x8xf32>
    tpu.vector_store %arg16[%swap3A_146, %swap3A_147], %add3A_145 {strides = array<i32>} : memref<64x8xf32, #tpu.memory_space<vmem>>, vector<64x8xf32>,
    %get3A_149 = arith.constant 0 : index
    %get3A_150 = arith.constant 0 : index
    %get3A_151 = vector.load %arg17[%get3A_149, %get3A_150] : memref<64x16xf32, #tpu.memory_space<vmem>>, vector<64x16xf32>
    %dot_general3A_152 = arith.constant dense<0.000000e+00> : vector<64x16xf32>
    %dot_general3A_153 = tpu.matmul %mul3A_117, %get3A_65, %dot_general3A_152 {dimension_numbers = #tpu.dot_dimension_numbers<[0], [0], [1], [1], [0, 1, 1, 1], [], []>, transpose_lhs_hint = false} : vector<2000x64xf32>, vector<2000x16xf32>, vector<64x16xf32> -> vector<64x16xf32>
    %add3A_154 = arith.addf %get3A_151, %dot_general3A_153 : vector<64x16xf32>
    %swap3A_155 = arith.constant 0 : index
    %swap3A_156 = arith.constant 0 : index
    %swap3A_157 = vector.load %arg17[%swap3A_155, %swap3A_156] : memref<64x16xf32, #tpu.memory_space<vmem>>, vector<64x16xf32>
    tpu.vector_store %arg17[%swap3A_155, %swap3A_156], %add3A_154 {strides = array<i32>} : memref<64x16xf32, #tpu.memory_space<vmem>>, vector<64x16xf32>,
    %get3A_158 = arith.constant 0 : index
    %get3A_159 = arith.constant 0 : index
    %get3A_160 = vector.load %arg18[%get3A_158, %get3A_159] : memref<16x256xf32, #tpu.memory_space<vmem>>, vector<16x256xf32>
    %dot_general3A_161 = arith.constant dense<0.000000e+00> : vector<16x256xf32>
    %dot_general3A_162 = tpu.matmul %convert_element_type3A_126, %add3A_57, %dot_general3A_161 {dimension_numbers = #tpu.dot_dimension_numbers<[0], [0], [1], [1], [0, 1, 1, 1], [], []>, transpose_lhs_hint = false} : vector<2000x16xf32>, vector<2000x256xf32>, vector<16x256xf32> -> vector<16x256xf32>
    %add3A_163 = arith.addf %get3A_160, %dot_general3A_162 : vector<16x256xf32>
    %swap3A_164 = arith.constant 0 : index
    %swap3A_165 = arith.constant 0 : index
    %swap3A_166 = vector.load %arg18[%swap3A_164, %swap3A_165] : memref<16x256xf32, #tpu.memory_space<vmem>>, vector<16x256xf32>
    tpu.vector_store %arg18[%swap3A_164, %swap3A_165], %add3A_163 {strides = array<i32>} : memref<16x256xf32, #tpu.memory_space<vmem>>, vector<16x256xf32>,
    %get3A_167 = arith.constant 0 : index
    %get3A_168 = arith.constant 0 : index
    %get3A_169 = vector.load %arg19[%get3A_167, %get3A_168] : memref<16x1xf32, #tpu.memory_space<vmem>>, vector<16x1xf32>
    %broadcast_in_dim3A_170 = arith.constant 1.000000e+00 : f32
    %broadcast_in_dim3A_171 = vector.broadcast %broadcast_in_dim3A_170 : f32 to vector<2000x1xf32>
    %dot_general3A_172 = arith.constant dense<0.000000e+00> : vector<16x1xf32>
    %dot_general3A_173 = tpu.matmul %convert_element_type3A_126, %broadcast_in_dim3A_171, %dot_general3A_172 {dimension_numbers = #tpu.dot_dimension_numbers<[0], [0], [1], [1], [0, 1, 1, 1], [], []>, transpose_lhs_hint = false} : vector<2000x16xf32>, vector<2000x1xf32>, vector<16x1xf32> -> vector<16x1xf32>
    %add3A_174 = arith.addf %get3A_169, %dot_general3A_173 : vector<16x1xf32>
    %swap3A_175 = arith.constant 0 : index
    %swap3A_176 = arith.constant 0 : index
    %swap3A_177 = vector.load %arg19[%swap3A_175, %swap3A_176] : memref<16x1xf32, #tpu.memory_space<vmem>>, vector<16x1xf32>
    tpu.vector_store %arg19[%swap3A_175, %swap3A_176], %add3A_174 {strides = array<i32>} : memref<16x1xf32, #tpu.memory_space<vmem>>, vector<16x1xf32>,
    return
  }
  func.func @transform_0(%arg0: i32) -> (i32, i32) {
    %c0_i32 = arith.constant 0 : i32
    %c0_i32_0 = arith.constant 0 : i32
    return %arg0, %c0_i32 : i32, i32
  }
  func.func @transform_1(%arg0: i32) -> (i32, i32) {
    %c0_i32 = arith.constant 0 : i32
    %c0_i32_0 = arith.constant 0 : i32
    return %arg0, %c0_i32 : i32, i32
  }
  func.func @transform_2(%arg0: i32) -> (i32, i32) {
    %c0_i32 = arith.constant 0 : i32
    %c0_i32_0 = arith.constant 0 : i32
    return %arg0, %c0_i32 : i32, i32
  }
  func.func @transform_3(%arg0: i32) -> (i32, i32) {
    %c0_i32 = arith.constant 0 : i32
    %c0_i32_0 = arith.constant 0 : i32
    return %arg0, %c0_i32 : i32, i32
  }
  func.func @transform_4(%arg0: i32) -> (i32, i32) {
    %c0_i32 = arith.constant 0 : i32
    %c0_i32_0 = arith.constant 0 : i32
    %c0_i32_1 = arith.constant 0 : i32
    return %c0_i32, %c0_i32_0 : i32, i32
  }
  func.func @transform_5(%arg0: i32) -> (i32, i32) {
    %c0_i32 = arith.constant 0 : i32
    %c0_i32_0 = arith.constant 0 : i32
    %c0_i32_1 = arith.constant 0 : i32
    return %c0_i32, %c0_i32_0 : i32, i32
  }
  func.func @transform_6(%arg0: i32) -> (i32, i32) {
    %c0_i32 = arith.constant 0 : i32
    %c0_i32_0 = arith.constant 0 : i32
    %c0_i32_1 = arith.constant 0 : i32
    return %c0_i32, %c0_i32_0 : i32, i32
  }
  func.func @transform_7(%arg0: i32) -> (i32, i32) {
    %c0_i32 = arith.constant 0 : i32
    %c0_i32_0 = arith.constant 0 : i32
    %c0_i32_1 = arith.constant 0 : i32
    return %c0_i32, %c0_i32_0 : i32, i32
  }
  func.func @transform_8(%arg0: i32) -> (i32, i32) {
    %c0_i32 = arith.constant 0 : i32
    %c0_i32_0 = arith.constant 0 : i32
    %c0_i32_1 = arith.constant 0 : i32
    return %c0_i32, %c0_i32_0 : i32, i32
  }
  func.func @transform_9(%arg0: i32) -> (i32, i32) {
    %c0_i32 = arith.constant 0 : i32
    %c0_i32_0 = arith.constant 0 : i32
    %c0_i32_1 = arith.constant 0 : i32
    return %c0_i32, %c0_i32_0 : i32, i32
  }
  func.func @transform_10(%arg0: i32) -> (i32, i32) {
    %c0_i32 = arith.constant 0 : i32
    %c0_i32_0 = arith.constant 0 : i32
    %c0_i32_1 = arith.constant 0 : i32
    return %c0_i32, %c0_i32_0 : i32, i32
  }
  func.func @transform_11(%arg0: i32) -> (i32, i32) {
    %c0_i32 = arith.constant 0 : i32
    %c0_i32_0 = arith.constant 0 : i32
    %c0_i32_1 = arith.constant 0 : i32
    return %c0_i32, %c0_i32_0 : i32, i32
  }
  func.func @transform_12(%arg0: i32) -> (i32, i32) {
    %c0_i32 = arith.constant 0 : i32
    %c0_i32_0 = arith.constant 0 : i32
    %c0_i32_1 = arith.constant 0 : i32
    return %c0_i32, %c0_i32_0 : i32, i32
  }
  func.func @transform_13(%arg0: i32) -> (i32, i32) {
    %c0_i32 = arith.constant 0 : i32
    %c0_i32_0 = arith.constant 0 : i32
    return %arg0, %c0_i32 : i32, i32
  }
  func.func @transform_14(%arg0: i32) -> (i32, i32) {
    %c0_i32 = arith.constant 0 : i32
    %c0_i32_0 = arith.constant 0 : i32
    %c0_i32_1 = arith.constant 0 : i32
    return %c0_i32, %c0_i32_0 : i32, i32
  }
  func.func @transform_15(%arg0: i32) -> (i32, i32) {
    %c0_i32 = arith.constant 0 : i32
    %c0_i32_0 = arith.constant 0 : i32
    %c0_i32_1 = arith.constant 0 : i32
    return %c0_i32, %c0_i32_0 : i32, i32
  }
  func.func @transform_16(%arg0: i32) -> (i32, i32) {
    %c0_i32 = arith.constant 0 : i32
    %c0_i32_0 = arith.constant 0 : i32
    %c0_i32_1 = arith.constant 0 : i32
    return %c0_i32, %c0_i32_0 : i32, i32
  }
  func.func @transform_17(%arg0: i32) -> (i32, i32) {
    %c0_i32 = arith.constant 0 : i32
    %c0_i32_0 = arith.constant 0 : i32
    %c0_i32_1 = arith.constant 0 : i32
    return %c0_i32, %c0_i32_0 : i32, i32
  }
  func.func @transform_18(%arg0: i32) -> (i32, i32) {
    %c0_i32 = arith.constant 0 : i32
    %c0_i32_0 = arith.constant 0 : i32
    %c0_i32_1 = arith.constant 0 : i32
    return %c0_i32, %c0_i32_0 : i32, i32
  }
}

module attributes {stable_mosaic.version = 14 : i64} {
  func.func @_cred_body(%arg0: i32, %arg1: memref<2000x256xf32, #tpu.memory_space<vmem>>, %arg2: memref<2000x1xi32, #tpu.memory_space<vmem>>, %arg3: memref<2000x16xf32, #tpu.memory_space<vmem>>, %arg4: memref<2000x16xf32, #tpu.memory_space<vmem>>, %arg5: memref<16x280xf32, #tpu.memory_space<vmem>>, %arg6: memref<16x280xf32, #tpu.memory_space<vmem>>, %arg7: memref<16x280xf32, #tpu.memory_space<vmem>>, %arg8: memref<16x280xf32, #tpu.memory_space<vmem>>, %arg9: memref<16x256xf32, #tpu.memory_space<vmem>>, %arg10: memref<16x1xf32, #tpu.memory_space<vmem>>, %arg11: memref<280x1120xf32, #tpu.memory_space<vmem>>, %arg12: memref<4x560xf32, #tpu.memory_space<vmem>>, %arg13: memref<1x560xf32, #tpu.memory_space<vmem>>, %arg14: memref<560x274xf32, #tpu.memory_space<vmem>>, %arg15: memref<18x560xf32, #tpu.memory_space<vmem>>, %arg16: memref<1x560xf32, #tpu.memory_space<vmem>>, %arg17: memref<560x128xf32, #tpu.memory_space<vmem>>, %arg18: memref<1x560xf32, #tpu.memory_space<vmem>>, %arg19: memref<560x280xf32, #tpu.memory_space<vmem>>, %arg20: memref<1x280xf32, #tpu.memory_space<vmem>>, %arg21: memref<1x280xf32, #tpu.memory_space<vmem>>, %arg22: memref<256x256xf32, #tpu.memory_space<vmem>>, %arg23: memref<280x256xf32, #tpu.memory_space<vmem>>, %arg24: memref<1x256xf32, #tpu.memory_space<vmem>>, %arg25: memref<256x256xf32, #tpu.memory_space<vmem>>, %arg26: memref<1x256xf32, #tpu.memory_space<vmem>>, %arg27: memref<256x256xf32, #tpu.memory_space<vmem>>, %arg28: memref<1x256xf32, #tpu.memory_space<vmem>>, %arg29: memref<1x256xf32, #tpu.memory_space<vmem>>, %arg30: memref<1x256xf32, #tpu.memory_space<vmem>>, %arg31: memref<256x128xf32, #tpu.memory_space<vmem>>, %arg32: memref<1x128xf32, #tpu.memory_space<vmem>>, %arg33: memref<16x128xf32, #tpu.memory_space<vmem>>, %arg34: memref<16x256xf32, #tpu.memory_space<vmem>>, %arg35: memref<16x16xf32, #tpu.memory_space<vmem>>) attributes {dimension_semantics = [#tpu.dimension_semantics<arbitrary>], iteration_bounds = array<i64: 6>, scalar_prefetch = 0 : i64, scratch_operands = 2 : i64, tpu.core_type = #tpu.core_type<tc>, window_params = [{transform_indices = @transform_0, window_bounds = array<i64: 2000, 256>}, {transform_indices = @transform_1, window_bounds = array<i64: 2000, 1>}, {transform_indices = @transform_2, window_bounds = array<i64: 2000, 16>}, {transform_indices = @transform_3, window_bounds = array<i64: 2000, 16>}, {pipeline_mode = #tpu.pipeline_mode<synchronous>, transform_indices = @transform_4, window_bounds = array<i64: 16, 280>}, {pipeline_mode = #tpu.pipeline_mode<synchronous>, transform_indices = @transform_5, window_bounds = array<i64: 16, 280>}, {pipeline_mode = #tpu.pipeline_mode<synchronous>, transform_indices = @transform_6, window_bounds = array<i64: 16, 280>}, {pipeline_mode = #tpu.pipeline_mode<synchronous>, transform_indices = @transform_7, window_bounds = array<i64: 16, 280>}, {pipeline_mode = #tpu.pipeline_mode<synchronous>, transform_indices = @transform_8, window_bounds = array<i64: 16, 256>}, {pipeline_mode = #tpu.pipeline_mode<synchronous>, transform_indices = @transform_9, window_bounds = array<i64: 16, 1>}, {pipeline_mode = #tpu.pipeline_mode<synchronous>, transform_indices = @transform_10, window_bounds = array<i64: 280, 1120>}, {pipeline_mode = #tpu.pipeline_mode<synchronous>, transform_indices = @transform_11, window_bounds = array<i64: 4, 560>}, {pipeline_mode = #tpu.pipeline_mode<synchronous>, transform_indices = @transform_12, window_bounds = array<i64: 1, 560>}, {pipeline_mode = #tpu.pipeline_mode<synchronous>, transform_indices = @transform_13, window_bounds = array<i64: 560, 274>}, {pipeline_mode = #tpu.pipeline_mode<synchronous>, transform_indices = @transform_14, window_bounds = array<i64: 18, 560>}, {pipeline_mode = #tpu.pipeline_mode<synchronous>, transform_indices = @transform_15, window_bounds = array<i64: 1, 560>}, {pipeline_mode = #tpu.pipeline_mode<synchronous>, transform_indices = @transform_16, window_bounds = array<i64: 560, 128>}, {pipeline_mode = #tpu.pipeline_mode<synchronous>, transform_indices = @transform_17, window_bounds = array<i64: 1, 560>}, {pipeline_mode = #tpu.pipeline_mode<synchronous>, transform_indices = @transform_18, window_bounds = array<i64: 560, 280>}, {pipeline_mode = #tpu.pipeline_mode<synchronous>, transform_indices = @transform_19, window_bounds = array<i64: 1, 280>}, {pipeline_mode = #tpu.pipeline_mode<synchronous>, transform_indices = @transform_20, window_bounds = array<i64: 1, 280>}, {pipeline_mode = #tpu.pipeline_mode<synchronous>, transform_indices = @transform_21, window_bounds = array<i64: 256, 256>}, {pipeline_mode = #tpu.pipeline_mode<synchronous>, transform_indices = @transform_22, window_bounds = array<i64: 280, 256>}, {pipeline_mode = #tpu.pipeline_mode<synchronous>, transform_indices = @transform_23, window_bounds = array<i64: 1, 256>}, {pipeline_mode = #tpu.pipeline_mode<synchronous>, transform_indices = @transform_24, window_bounds = array<i64: 256, 256>}, {pipeline_mode = #tpu.pipeline_mode<synchronous>, transform_indices = @transform_25, window_bounds = array<i64: 1, 256>}, {pipeline_mode = #tpu.pipeline_mode<synchronous>, transform_indices = @transform_26, window_bounds = array<i64: 256, 256>}, {pipeline_mode = #tpu.pipeline_mode<synchronous>, transform_indices = @transform_27, window_bounds = array<i64: 1, 256>}, {pipeline_mode = #tpu.pipeline_mode<synchronous>, transform_indices = @transform_28, window_bounds = array<i64: 1, 256>}, {pipeline_mode = #tpu.pipeline_mode<synchronous>, transform_indices = @transform_29, window_bounds = array<i64: 1, 256>}, {pipeline_mode = #tpu.pipeline_mode<synchronous>, transform_indices = @transform_30, window_bounds = array<i64: 256, 128>}, {pipeline_mode = #tpu.pipeline_mode<synchronous>, transform_indices = @transform_31, window_bounds = array<i64: 1, 128>}, {pipeline_mode = #tpu.pipeline_mode<synchronous>, transform_indices = @transform_32, window_bounds = array<i64: 16, 128>}]} {
    %eq3A = arith.constant 0 : i32
    %eq3A_0 = arith.cmpi eq, %arg0, %eq3A : i32
    %convert_element_type3A = arith.extui %eq3A_0 : i1 to i32
    %cond3A = arith.constant 0 : i32
    %cond3A_1 = arith.cmpi ne, %convert_element_type3A, %cond3A : i32
    scf.if %cond3A_1 {
      %broadcast_in_dim3A = arith.constant 0.000000e+00 : f32
      %broadcast_in_dim3A_11 = vector.broadcast %broadcast_in_dim3A : f32 to vector<16x256xf32>
      %swap3A = arith.constant 0 : index
      %swap3A_12 = arith.constant 0 : index
      %swap3A_13 = vector.load %arg34[%swap3A, %swap3A_12] : memref<16x256xf32, #tpu.memory_space<vmem>>, vector<16x256xf32>
      tpu.vector_store %arg34[%swap3A, %swap3A_12], %broadcast_in_dim3A_11 {strides = array<i32>} : memref<16x256xf32, #tpu.memory_space<vmem>>, vector<16x256xf32>,
      %broadcast_in_dim3A_14 = arith.constant 0.000000e+00 : f32
      %broadcast_in_dim3A_15 = vector.broadcast %broadcast_in_dim3A_14 : f32 to vector<16x16xf32>
      %swap3A_16 = arith.constant 0 : index
      %swap3A_17 = arith.constant 0 : index
      %swap3A_18 = vector.load %arg35[%swap3A_16, %swap3A_17] : memref<16x16xf32, #tpu.memory_space<vmem>>, vector<16x16xf32>
      tpu.vector_store %arg35[%swap3A_16, %swap3A_17], %broadcast_in_dim3A_15 {strides = array<i32>} : memref<16x16xf32, #tpu.memory_space<vmem>>, vector<16x16xf32>,
    } else {
    }
    %lt3A = arith.constant 5 : i32
    %lt3A_2 = arith.cmpi slt, %arg0, %lt3A : i32
    %convert_element_type3A_3 = arith.extui %lt3A_2 : i1 to i32
    %cond3A_4 = arith.constant 0 : i32
    %cond3A_5 = arith.cmpi ne, %convert_element_type3A_3, %cond3A_4 : i32
    scf.if %cond3A_5 {
      %get3A = arith.constant 0 : index
      %get3A_11 = arith.constant 0 : index
      %get3A_12 = vector.load %arg1[%get3A, %get3A_11] : memref<2000x256xf32, #tpu.memory_space<vmem>>, vector<2000x256xf32>
      %iota3A = tpu.iota {dimensions = array<i32: 1>} : vector<1x16xi32>
      %get3A_13 = arith.constant 0 : index
      %get3A_14 = arith.constant 0 : index
      %get3A_15 = vector.load %arg2[%get3A_13, %get3A_14] : memref<2000x1xi32, #tpu.memory_space<vmem>>, vector<2000x1xi32>
      %eq3A_16 = vector.broadcast %get3A_15 : vector<2000x1xi32> to vector<2000x16xi32>
      %eq3A_17 = vector.broadcast %iota3A : vector<1x16xi32> to vector<2000x16xi32>
      %eq3A_18 = arith.cmpi eq, %eq3A_16, %eq3A_17 : vector<2000x16xi32>
      %convert_element_type3A_19 = arith.extui %eq3A_18 : vector<2000x16xi1> to vector<2000x16xi32>
      %convert_element_type3A_20 = arith.sitofp %convert_element_type3A_19 : vector<2000x16xi32> to vector<2000x16xf32>
      %get3A_21 = arith.constant 0 : index
      %get3A_22 = arith.constant 0 : index
      %get3A_23 = vector.load %arg3[%get3A_21, %get3A_22] : memref<2000x16xf32, #tpu.memory_space<vmem>>, vector<2000x16xf32>
      %get3A_24 = arith.constant 0 : index
      %get3A_25 = arith.constant 0 : index
      %get3A_26 = vector.load %arg4[%get3A_24, %get3A_25] : memref<2000x16xf32, #tpu.memory_space<vmem>>, vector<2000x16xf32>
      %add3A = arith.addf %get3A_23, %get3A_26 : vector<2000x16xf32>
      %get3A_27 = arith.constant 0 : index
      %get3A_28 = arith.constant 0 : index
      %get3A_29 = vector.load %arg34[%get3A_27, %get3A_28] : memref<16x256xf32, #tpu.memory_space<vmem>>, vector<16x256xf32>
      %dot_general3A = arith.constant dense<0.000000e+00> : vector<16x256xf32>
      %dot_general3A_30 = tpu.matmul %add3A, %get3A_12, %dot_general3A {dimension_numbers = #tpu.dot_dimension_numbers<[0], [0], [1], [1], [0, 1, 1, 1], [], []>, transpose_lhs_hint = false} : vector<2000x16xf32>, vector<2000x256xf32>, vector<16x256xf32> -> vector<16x256xf32>
      %add3A_31 = arith.addf %get3A_29, %dot_general3A_30 : vector<16x256xf32>
      %swap3A = arith.constant 0 : index
      %swap3A_32 = arith.constant 0 : index
      %swap3A_33 = vector.load %arg34[%swap3A, %swap3A_32] : memref<16x256xf32, #tpu.memory_space<vmem>>, vector<16x256xf32>
      tpu.vector_store %arg34[%swap3A, %swap3A_32], %add3A_31 {strides = array<i32>} : memref<16x256xf32, #tpu.memory_space<vmem>>, vector<16x256xf32>,
      %get3A_34 = arith.constant 0 : index
      %get3A_35 = arith.constant 0 : index
      %get3A_36 = vector.load %arg35[%get3A_34, %get3A_35] : memref<16x16xf32, #tpu.memory_space<vmem>>, vector<16x16xf32>
      %dot_general3A_37 = arith.constant dense<0.000000e+00> : vector<16x16xf32>
      %dot_general3A_38 = tpu.matmul %add3A, %convert_element_type3A_20, %dot_general3A_37 {dimension_numbers = #tpu.dot_dimension_numbers<[0], [0], [1], [1], [0, 1, 1, 1], [], []>, transpose_lhs_hint = false} : vector<2000x16xf32>, vector<2000x16xf32>, vector<16x16xf32> -> vector<16x16xf32>
      %add3A_39 = arith.addf %get3A_36, %dot_general3A_38 : vector<16x16xf32>
      %swap3A_40 = arith.constant 0 : index
      %swap3A_41 = arith.constant 0 : index
      %swap3A_42 = vector.load %arg35[%swap3A_40, %swap3A_41] : memref<16x16xf32, #tpu.memory_space<vmem>>, vector<16x16xf32>
      tpu.vector_store %arg35[%swap3A_40, %swap3A_41], %add3A_39 {strides = array<i32>} : memref<16x16xf32, #tpu.memory_space<vmem>>, vector<16x16xf32>,
    } else {
    }
    %eq3A_6 = arith.constant 5 : i32
    %eq3A_7 = arith.cmpi eq, %arg0, %eq3A_6 : i32
    %convert_element_type3A_8 = arith.extui %eq3A_7 : i1 to i32
    %cond3A_9 = arith.constant 0 : i32
    %cond3A_10 = arith.cmpi ne, %convert_element_type3A_8, %cond3A_9 : i32
    scf.if %cond3A_10 {
      %get3A = arith.constant 0 : index
      %get3A_11 = arith.constant 0 : index
      %get3A_12 = vector.load %arg5[%get3A, %get3A_11] : memref<16x280xf32, #tpu.memory_space<vmem>>, vector<16x280xf32>
      %get3A_13 = arith.constant 0 : index
      %get3A_14 = arith.constant 0 : index
      %get3A_15 = vector.load %arg6[%get3A_13, %get3A_14] : memref<16x280xf32, #tpu.memory_space<vmem>>, vector<16x280xf32>
      %get3A_16 = arith.constant 0 : index
      %get3A_17 = arith.constant 0 : index
      %get3A_18 = vector.load %arg7[%get3A_16, %get3A_17] : memref<16x280xf32, #tpu.memory_space<vmem>>, vector<16x280xf32>
      %get3A_19 = arith.constant 0 : index
      %get3A_20 = arith.constant 0 : index
      %get3A_21 = vector.load %arg8[%get3A_19, %get3A_20] : memref<16x280xf32, #tpu.memory_space<vmem>>, vector<16x280xf32>
      %get3A_22 = arith.constant 0 : index
      %get3A_23 = arith.constant 0 : index
      %get3A_24 = vector.load %arg11[%get3A_22, %get3A_23] : memref<280x1120xf32, #tpu.memory_space<vmem>>, vector<280x1120xf32>
      %dot_general3A = arith.constant dense<0.000000e+00> : vector<16x1120xf32>
      %dot_general3A_25 = tpu.matmul %get3A_12, %get3A_24, %dot_general3A {dimension_numbers = #tpu.dot_dimension_numbers<[1], [0], [0], [1], [0, 0, 1, 1], [], []>, transpose_lhs_hint = false} : vector<16x280xf32>, vector<280x1120xf32>, vector<16x1120xf32> -> vector<16x1120xf32>
      %slice3A = vector.extract_strided_slice %dot_general3A_25 {offsets = [0, 0], sizes = [16, 560], strides = [1, 1]} : vector<16x1120xf32> to vector<16x560xf32>
      %get3A_26 = arith.constant 0 : index
      %get3A_27 = arith.constant 0 : index
      %get3A_28 = vector.load %arg11[%get3A_26, %get3A_27] : memref<280x1120xf32, #tpu.memory_space<vmem>>, vector<280x1120xf32>
      %dot_general3A_29 = arith.constant dense<0.000000e+00> : vector<16x1120xf32>
      %dot_general3A_30 = tpu.matmul %get3A_15, %get3A_28, %dot_general3A_29 {dimension_numbers = #tpu.dot_dimension_numbers<[1], [0], [0], [1], [0, 0, 1, 1], [], []>, transpose_lhs_hint = false} : vector<16x280xf32>, vector<280x1120xf32>, vector<16x1120xf32> -> vector<16x1120xf32>
      %slice3A_31 = vector.extract_strided_slice %dot_general3A_30 {offsets = [0, 0], sizes = [16, 560], strides = [1, 1]} : vector<16x1120xf32> to vector<16x560xf32>
      %get3A_32 = arith.constant 0 : index
      %get3A_33 = arith.constant 0 : index
      %get3A_34 = vector.load %arg11[%get3A_32, %get3A_33] : memref<280x1120xf32, #tpu.memory_space<vmem>>, vector<280x1120xf32>
      %dot_general3A_35 = arith.constant dense<0.000000e+00> : vector<16x1120xf32>
      %dot_general3A_36 = tpu.matmul %get3A_18, %get3A_34, %dot_general3A_35 {dimension_numbers = #tpu.dot_dimension_numbers<[1], [0], [0], [1], [0, 0, 1, 1], [], []>, transpose_lhs_hint = false} : vector<16x280xf32>, vector<280x1120xf32>, vector<16x1120xf32> -> vector<16x1120xf32>
      %slice3A_37 = vector.extract_strided_slice %dot_general3A_36 {offsets = [0, 0], sizes = [16, 560], strides = [1, 1]} : vector<16x1120xf32> to vector<16x560xf32>
      %get3A_38 = arith.constant 0 : index
      %get3A_39 = arith.constant 0 : index
      %get3A_40 = vector.load %arg11[%get3A_38, %get3A_39] : memref<280x1120xf32, #tpu.memory_space<vmem>>, vector<280x1120xf32>
      %dot_general3A_41 = arith.constant dense<0.000000e+00> : vector<16x1120xf32>
      %dot_general3A_42 = tpu.matmul %get3A_21, %get3A_40, %dot_general3A_41 {dimension_numbers = #tpu.dot_dimension_numbers<[1], [0], [0], [1], [0, 0, 1, 1], [], []>, transpose_lhs_hint = false} : vector<16x280xf32>, vector<280x1120xf32>, vector<16x1120xf32> -> vector<16x1120xf32>
      %slice3A_43 = vector.extract_strided_slice %dot_general3A_42 {offsets = [0, 0], sizes = [16, 560], strides = [1, 1]} : vector<16x1120xf32> to vector<16x560xf32>
      %slice3A_44 = vector.extract_strided_slice %dot_general3A_42 {offsets = [0, 560], sizes = [16, 560], strides = [1, 1]} : vector<16x1120xf32> to vector<16x560xf32>
      %get3A_45 = arith.constant 0 : index
      %get3A_46 = arith.constant 0 : index
      %get3A_47 = vector.load %arg13[%get3A_45, %get3A_46] : memref<1x560xf32, #tpu.memory_space<vmem>>, vector<1x560xf32>
      %get3A_48 = arith.constant 3 : index
      %get3A_49 = arith.constant 0 : index
      %get3A_50 = vector.load %arg12[%get3A_48, %get3A_49] : memref<4x560xf32, #tpu.memory_space<vmem>>, vector<1x560xf32>
      %get3A_51 = vector.shape_cast %get3A_50 : vector<1x560xf32> to vector<560xf32>
      %broadcast_in_dim3A = vector.shape_cast %get3A_51 : vector<560xf32> to vector<1x560xf32>
      %mul3A = vector.broadcast %broadcast_in_dim3A : vector<1x560xf32> to vector<16x560xf32>
      %mul3A_52 = arith.mulf %slice3A, %mul3A : vector<16x560xf32>
      %add3A = vector.broadcast %get3A_47 : vector<1x560xf32> to vector<16x560xf32>
      %add3A_53 = arith.addf %add3A, %mul3A_52 : vector<16x560xf32>
      %logistic3A = arith.negf %add3A_53 : vector<16x560xf32>
      %logistic3A_54 = math.exp %logistic3A : vector<16x560xf32>
      %logistic3A_55 = arith.constant 1.000000e+00 : f32
      %logistic3A_56 = vector.broadcast %logistic3A_55 : f32 to vector<16x560xf32>
      %logistic3A_57 = arith.addf %logistic3A_56, %logistic3A_54 : vector<16x560xf32>
      %logistic3A_58 = arith.divf %logistic3A_56, %logistic3A_57 : vector<16x560xf32>
      %mul3A_59 = arith.mulf %add3A_53, %logistic3A_58 : vector<16x560xf32>
      %get3A_60 = arith.constant 0 : index
      %get3A_61 = arith.constant 0 : index
      %get3A_62 = vector.load %arg13[%get3A_60, %get3A_61] : memref<1x560xf32, #tpu.memory_space<vmem>>, vector<1x560xf32>
      %get3A_63 = arith.constant 2 : index
      %get3A_64 = arith.constant 0 : index
      %get3A_65 = vector.load %arg12[%get3A_63, %get3A_64] : memref<4x560xf32, #tpu.memory_space<vmem>>, vector<1x560xf32>
      %get3A_66 = vector.shape_cast %get3A_65 : vector<1x560xf32> to vector<560xf32>
      %broadcast_in_dim3A_67 = vector.shape_cast %get3A_66 : vector<560xf32> to vector<1x560xf32>
      %mul3A_68 = vector.broadcast %broadcast_in_dim3A_67 : vector<1x560xf32> to vector<16x560xf32>
      %mul3A_69 = arith.mulf %slice3A, %mul3A_68 : vector<16x560xf32>
      %add3A_70 = vector.broadcast %get3A_62 : vector<1x560xf32> to vector<16x560xf32>
      %add3A_71 = arith.addf %add3A_70, %mul3A_69 : vector<16x560xf32>
      %get3A_72 = arith.constant 3 : index
      %get3A_73 = arith.constant 0 : index
      %get3A_74 = vector.load %arg12[%get3A_72, %get3A_73] : memref<4x560xf32, #tpu.memory_space<vmem>>, vector<1x560xf32>
      %get3A_75 = vector.shape_cast %get3A_74 : vector<1x560xf32> to vector<560xf32>
      %broadcast_in_dim3A_76 = vector.shape_cast %get3A_75 : vector<560xf32> to vector<1x560xf32>
      %mul3A_77 = vector.broadcast %broadcast_in_dim3A_76 : vector<1x560xf32> to vector<16x560xf32>
      %mul3A_78 = arith.mulf %slice3A_31, %mul3A_77 : vector<16x560xf32>
      %add3A_79 = arith.addf %add3A_71, %mul3A_78 : vector<16x560xf32>
      %logistic3A_80 = arith.negf %add3A_79 : vector<16x560xf32>
      %logistic3A_81 = math.exp %logistic3A_80 : vector<16x560xf32>
      %logistic3A_82 = arith.constant 1.000000e+00 : f32
      %logistic3A_83 = vector.broadcast %logistic3A_82 : f32 to vector<16x560xf32>
      %logistic3A_84 = arith.addf %logistic3A_83, %logistic3A_81 : vector<16x560xf32>
      %logistic3A_85 = arith.divf %logistic3A_83, %logistic3A_84 : vector<16x560xf32>
      %mul3A_86 = arith.mulf %add3A_79, %logistic3A_85 : vector<16x560xf32>
      %get3A_87 = arith.constant 0 : index
      %get3A_88 = arith.constant 0 : index
      %get3A_89 = vector.load %arg13[%get3A_87, %get3A_88] : memref<1x560xf32, #tpu.memory_space<vmem>>, vector<1x560xf32>
      %get3A_90 = arith.constant 1 : index
      %get3A_91 = arith.constant 0 : index
      %get3A_92 = vector.load %arg12[%get3A_90, %get3A_91] : memref<4x560xf32, #tpu.memory_space<vmem>>, vector<1x560xf32>
      %get3A_93 = vector.shape_cast %get3A_92 : vector<1x560xf32> to vector<560xf32>
      %broadcast_in_dim3A_94 = vector.shape_cast %get3A_93 : vector<560xf32> to vector<1x560xf32>
      %mul3A_95 = vector.broadcast %broadcast_in_dim3A_94 : vector<1x560xf32> to vector<16x560xf32>
      %mul3A_96 = arith.mulf %slice3A, %mul3A_95 : vector<16x560xf32>
      %add3A_97 = vector.broadcast %get3A_89 : vector<1x560xf32> to vector<16x560xf32>
      %add3A_98 = arith.addf %add3A_97, %mul3A_96 : vector<16x560xf32>
      %get3A_99 = arith.constant 2 : index
      %get3A_100 = arith.constant 0 : index
      %get3A_101 = vector.load %arg12[%get3A_99, %get3A_100] : memref<4x560xf32, #tpu.memory_space<vmem>>, vector<1x560xf32>
      %get3A_102 = vector.shape_cast %get3A_101 : vector<1x560xf32> to vector<560xf32>
      %broadcast_in_dim3A_103 = vector.shape_cast %get3A_102 : vector<560xf32> to vector<1x560xf32>
      %mul3A_104 = vector.broadcast %broadcast_in_dim3A_103 : vector<1x560xf32> to vector<16x560xf32>
      %mul3A_105 = arith.mulf %slice3A_31, %mul3A_104 : vector<16x560xf32>
      %add3A_106 = arith.addf %add3A_98, %mul3A_105 : vector<16x560xf32>
      %get3A_107 = arith.constant 3 : index
      %get3A_108 = arith.constant 0 : index
      %get3A_109 = vector.load %arg12[%get3A_107, %get3A_108] : memref<4x560xf32, #tpu.memory_space<vmem>>, vector<1x560xf32>
      %get3A_110 = vector.shape_cast %get3A_109 : vector<1x560xf32> to vector<560xf32>
      %broadcast_in_dim3A_111 = vector.shape_cast %get3A_110 : vector<560xf32> to vector<1x560xf32>
      %mul3A_112 = vector.broadcast %broadcast_in_dim3A_111 : vector<1x560xf32> to vector<16x560xf32>
      %mul3A_113 = arith.mulf %slice3A_37, %mul3A_112 : vector<16x560xf32>
      %add3A_114 = arith.addf %add3A_106, %mul3A_113 : vector<16x560xf32>
      %logistic3A_115 = arith.negf %add3A_114 : vector<16x560xf32>
      %logistic3A_116 = math.exp %logistic3A_115 : vector<16x560xf32>
      %logistic3A_117 = arith.constant 1.000000e+00 : f32
      %logistic3A_118 = vector.broadcast %logistic3A_117 : f32 to vector<16x560xf32>
      %logistic3A_119 = arith.addf %logistic3A_118, %logistic3A_116 : vector<16x560xf32>
      %logistic3A_120 = arith.divf %logistic3A_118, %logistic3A_119 : vector<16x560xf32>
      %mul3A_121 = arith.mulf %add3A_114, %logistic3A_120 : vector<16x560xf32>
      %get3A_122 = arith.constant 0 : index
      %get3A_123 = arith.constant 0 : index
      %get3A_124 = vector.load %arg13[%get3A_122, %get3A_123] : memref<1x560xf32, #tpu.memory_space<vmem>>, vector<1x560xf32>
      %get3A_125 = arith.constant 0 : index
      %get3A_126 = arith.constant 0 : index
      %get3A_127 = vector.load %arg12[%get3A_125, %get3A_126] : memref<4x560xf32, #tpu.memory_space<vmem>>, vector<1x560xf32>
      %get3A_128 = vector.shape_cast %get3A_127 : vector<1x560xf32> to vector<560xf32>
      %broadcast_in_dim3A_129 = vector.shape_cast %get3A_128 : vector<560xf32> to vector<1x560xf32>
      %mul3A_130 = vector.broadcast %broadcast_in_dim3A_129 : vector<1x560xf32> to vector<16x560xf32>
      %mul3A_131 = arith.mulf %slice3A, %mul3A_130 : vector<16x560xf32>
      %add3A_132 = vector.broadcast %get3A_124 : vector<1x560xf32> to vector<16x560xf32>
      %add3A_133 = arith.addf %add3A_132, %mul3A_131 : vector<16x560xf32>
      %get3A_134 = arith.constant 1 : index
      %get3A_135 = arith.constant 0 : index
      %get3A_136 = vector.load %arg12[%get3A_134, %get3A_135] : memref<4x560xf32, #tpu.memory_space<vmem>>, vector<1x560xf32>
      %get3A_137 = vector.shape_cast %get3A_136 : vector<1x560xf32> to vector<560xf32>
      %broadcast_in_dim3A_138 = vector.shape_cast %get3A_137 : vector<560xf32> to vector<1x560xf32>
      %mul3A_139 = vector.broadcast %broadcast_in_dim3A_138 : vector<1x560xf32> to vector<16x560xf32>
      %mul3A_140 = arith.mulf %slice3A_31, %mul3A_139 : vector<16x560xf32>
      %add3A_141 = arith.addf %add3A_133, %mul3A_140 : vector<16x560xf32>
      %get3A_142 = arith.constant 2 : index
      %get3A_143 = arith.constant 0 : index
      %get3A_144 = vector.load %arg12[%get3A_142, %get3A_143] : memref<4x560xf32, #tpu.memory_space<vmem>>, vector<1x560xf32>
      %get3A_145 = vector.shape_cast %get3A_144 : vector<1x560xf32> to vector<560xf32>
      %broadcast_in_dim3A_146 = vector.shape_cast %get3A_145 : vector<560xf32> to vector<1x560xf32>
      %mul3A_147 = vector.broadcast %broadcast_in_dim3A_146 : vector<1x560xf32> to vector<16x560xf32>
      %mul3A_148 = arith.mulf %slice3A_37, %mul3A_147 : vector<16x560xf32>
      %add3A_149 = arith.addf %add3A_141, %mul3A_148 : vector<16x560xf32>
      %get3A_150 = arith.constant 3 : index
      %get3A_151 = arith.constant 0 : index
      %get3A_152 = vector.load %arg12[%get3A_150, %get3A_151] : memref<4x560xf32, #tpu.memory_space<vmem>>, vector<1x560xf32>
      %get3A_153 = vector.shape_cast %get3A_152 : vector<1x560xf32> to vector<560xf32>
      %broadcast_in_dim3A_154 = vector.shape_cast %get3A_153 : vector<560xf32> to vector<1x560xf32>
      %mul3A_155 = vector.broadcast %broadcast_in_dim3A_154 : vector<1x560xf32> to vector<16x560xf32>
      %mul3A_156 = arith.mulf %slice3A_43, %mul3A_155 : vector<16x560xf32>
      %add3A_157 = arith.addf %add3A_149, %mul3A_156 : vector<16x560xf32>
      %logistic3A_158 = arith.negf %add3A_157 : vector<16x560xf32>
      %logistic3A_159 = math.exp %logistic3A_158 : vector<16x560xf32>
      %logistic3A_160 = arith.constant 1.000000e+00 : f32
      %logistic3A_161 = vector.broadcast %logistic3A_160 : f32 to vector<16x560xf32>
      %logistic3A_162 = arith.addf %logistic3A_161, %logistic3A_159 : vector<16x560xf32>
      %logistic3A_163 = arith.divf %logistic3A_161, %logistic3A_162 : vector<16x560xf32>
      %mul3A_164 = arith.mulf %add3A_157, %logistic3A_163 : vector<16x560xf32>
      %get3A_165 = arith.constant 0 : index
      %get3A_166 = arith.constant 0 : index
      %get3A_167 = vector.load %arg14[%get3A_165, %get3A_166] : memref<560x274xf32, #tpu.memory_space<vmem>>, vector<560x274xf32>
      %dot_general3A_168 = arith.constant dense<0.000000e+00> : vector<16x274xf32>
      %dot_general3A_169 = tpu.matmul %mul3A_59, %get3A_167, %dot_general3A_168 {dimension_numbers = #tpu.dot_dimension_numbers<[1], [0], [0], [1], [0, 0, 1, 1], [], []>, transpose_lhs_hint = false} : vector<16x560xf32>, vector<560x274xf32>, vector<16x274xf32> -> vector<16x274xf32>
      %slice3A_170 = vector.extract_strided_slice %dot_general3A_169 {offsets = [0, 0], sizes = [16, 18], strides = [1, 1]} : vector<16x274xf32> to vector<16x18xf32>
      %get3A_171 = arith.constant 0 : index
      %get3A_172 = arith.constant 0 : index
      %get3A_173 = vector.load %arg15[%get3A_171, %get3A_172] : memref<18x560xf32, #tpu.memory_space<vmem>>, vector<18x560xf32>
      %dot_general3A_174 = arith.constant dense<0.000000e+00> : vector<16x560xf32>
      %dot_general3A_175 = tpu.matmul %slice3A_170, %get3A_173, %dot_general3A_174 {dimension_numbers = #tpu.dot_dimension_numbers<[1], [0], [0], [1], [0, 0, 1, 1], [], []>, transpose_lhs_hint = false} : vector<16x18xf32>, vector<18x560xf32>, vector<16x560xf32> -> vector<16x560xf32>
      %get3A_176 = arith.constant 0 : index
      %get3A_177 = arith.constant 0 : index
      %get3A_178 = vector.load %arg16[%get3A_176, %get3A_177] : memref<1x560xf32, #tpu.memory_space<vmem>>, vector<1x560xf32>
      %add3A_179 = vector.broadcast %get3A_178 : vector<1x560xf32> to vector<16x560xf32>
      %add3A_180 = arith.addf %dot_general3A_175, %add3A_179 : vector<16x560xf32>
      %custom_jvp_call3A = arith.constant 0.000000e+00 : f32
      %max3A = vector.broadcast %custom_jvp_call3A : f32 to vector<16x560xf32>
      %max3A_181 = arith.maximumf %add3A_180, %max3A : vector<16x560xf32>
      %sub3A = vector.broadcast %custom_jvp_call3A : f32 to vector<16x560xf32>
      %sub3A_182 = arith.subf %add3A_180, %sub3A : vector<16x560xf32>
      %ne3A = arith.cmpf one, %sub3A_182, %sub3A_182 : vector<16x560xf32>
      %add3A_183 = vector.broadcast %custom_jvp_call3A : f32 to vector<16x560xf32>
      %add3A_184 = arith.addf %add3A_180, %add3A_183 : vector<16x560xf32>
      %abs3A = math.absf %sub3A_182 : vector<16x560xf32>
      %neg3A = arith.constant 0.000000e+00 : f32
      %neg3A_185 = vector.broadcast %neg3A : f32 to vector<16x560xf32>
      %neg3A_186 = arith.subf %neg3A_185, %abs3A : vector<16x560xf32>
      %exp3A = math.exp %neg3A_186 : vector<16x560xf32>
      %log1p3A = math.log1p %exp3A : vector<16x560xf32>
      %add3A_187 = arith.addf %max3A_181, %log1p3A : vector<16x560xf32>
      %select_n3A = arith.select %ne3A, %add3A_184, %add3A_187 : vector<16x560xi1>, vector<16x560xf32>
      %slice3A_188 = vector.extract_strided_slice %dot_general3A_169 {offsets = [0, 18], sizes = [16, 128], strides = [1, 1]} : vector<16x274xf32> to vector<16x128xf32>
      %get3A_189 = arith.constant 0 : index
      %get3A_190 = arith.constant 0 : index
      %get3A_191 = vector.load %arg14[%get3A_189, %get3A_190] : memref<560x274xf32, #tpu.memory_space<vmem>>, vector<560x274xf32>
      %dot_general3A_192 = arith.constant dense<0.000000e+00> : vector<16x274xf32>
      %dot_general3A_193 = tpu.matmul %mul3A_86, %get3A_191, %dot_general3A_192 {dimension_numbers = #tpu.dot_dimension_numbers<[1], [0], [0], [1], [0, 0, 1, 1], [], []>, transpose_lhs_hint = false} : vector<16x560xf32>, vector<560x274xf32>, vector<16x274xf32> -> vector<16x274xf32>
      %slice3A_194 = vector.extract_strided_slice %dot_general3A_193 {offsets = [0, 0], sizes = [16, 18], strides = [1, 1]} : vector<16x274xf32> to vector<16x18xf32>
      %get3A_195 = arith.constant 0 : index
      %get3A_196 = arith.constant 0 : index
      %get3A_197 = vector.load %arg15[%get3A_195, %get3A_196] : memref<18x560xf32, #tpu.memory_space<vmem>>, vector<18x560xf32>
      %dot_general3A_198 = arith.constant dense<0.000000e+00> : vector<16x560xf32>
      %dot_general3A_199 = tpu.matmul %slice3A_194, %get3A_197, %dot_general3A_198 {dimension_numbers = #tpu.dot_dimension_numbers<[1], [0], [0], [1], [0, 0, 1, 1], [], []>, transpose_lhs_hint = false} : vector<16x18xf32>, vector<18x560xf32>, vector<16x560xf32> -> vector<16x560xf32>
      %get3A_200 = arith.constant 0 : index
      %get3A_201 = arith.constant 0 : index
      %get3A_202 = vector.load %arg16[%get3A_200, %get3A_201] : memref<1x560xf32, #tpu.memory_space<vmem>>, vector<1x560xf32>
      %add3A_203 = vector.broadcast %get3A_202 : vector<1x560xf32> to vector<16x560xf32>
      %add3A_204 = arith.addf %dot_general3A_199, %add3A_203 : vector<16x560xf32>
      %custom_jvp_call3A_205 = arith.constant 0.000000e+00 : f32
      %max3A_206 = vector.broadcast %custom_jvp_call3A_205 : f32 to vector<16x560xf32>
      %max3A_207 = arith.maximumf %add3A_204, %max3A_206 : vector<16x560xf32>
      %sub3A_208 = vector.broadcast %custom_jvp_call3A_205 : f32 to vector<16x560xf32>
      %sub3A_209 = arith.subf %add3A_204, %sub3A_208 : vector<16x560xf32>
      %ne3A_210 = arith.cmpf one, %sub3A_209, %sub3A_209 : vector<16x560xf32>
      %add3A_211 = vector.broadcast %custom_jvp_call3A_205 : f32 to vector<16x560xf32>
      %add3A_212 = arith.addf %add3A_204, %add3A_211 : vector<16x560xf32>
      %abs3A_213 = math.absf %sub3A_209 : vector<16x560xf32>
      %neg3A_214 = arith.constant 0.000000e+00 : f32
      %neg3A_215 = vector.broadcast %neg3A_214 : f32 to vector<16x560xf32>
      %neg3A_216 = arith.subf %neg3A_215, %abs3A_213 : vector<16x560xf32>
      %exp3A_217 = math.exp %neg3A_216 : vector<16x560xf32>
      %log1p3A_218 = math.log1p %exp3A_217 : vector<16x560xf32>
      %add3A_219 = arith.addf %max3A_207, %log1p3A_218 : vector<16x560xf32>
      %select_n3A_220 = arith.select %ne3A_210, %add3A_212, %add3A_219 : vector<16x560xi1>, vector<16x560xf32>
      %slice3A_221 = vector.extract_strided_slice %dot_general3A_193 {offsets = [0, 18], sizes = [16, 128], strides = [1, 1]} : vector<16x274xf32> to vector<16x128xf32>
      %get3A_222 = arith.constant 0 : index
      %get3A_223 = arith.constant 0 : index
      %get3A_224 = vector.load %arg14[%get3A_222, %get3A_223] : memref<560x274xf32, #tpu.memory_space<vmem>>, vector<560x274xf32>
      %dot_general3A_225 = arith.constant dense<0.000000e+00> : vector<16x274xf32>
      %dot_general3A_226 = tpu.matmul %mul3A_121, %get3A_224, %dot_general3A_225 {dimension_numbers = #tpu.dot_dimension_numbers<[1], [0], [0], [1], [0, 0, 1, 1], [], []>, transpose_lhs_hint = false} : vector<16x560xf32>, vector<560x274xf32>, vector<16x274xf32> -> vector<16x274xf32>
      %slice3A_227 = vector.extract_strided_slice %dot_general3A_226 {offsets = [0, 0], sizes = [16, 18], strides = [1, 1]} : vector<16x274xf32> to vector<16x18xf32>
      %get3A_228 = arith.constant 0 : index
      %get3A_229 = arith.constant 0 : index
      %get3A_230 = vector.load %arg15[%get3A_228, %get3A_229] : memref<18x560xf32, #tpu.memory_space<vmem>>, vector<18x560xf32>
      %dot_general3A_231 = arith.constant dense<0.000000e+00> : vector<16x560xf32>
      %dot_general3A_232 = tpu.matmul %slice3A_227, %get3A_230, %dot_general3A_231 {dimension_numbers = #tpu.dot_dimension_numbers<[1], [0], [0], [1], [0, 0, 1, 1], [], []>, transpose_lhs_hint = false} : vector<16x18xf32>, vector<18x560xf32>, vector<16x560xf32> -> vector<16x560xf32>
      %get3A_233 = arith.constant 0 : index
      %get3A_234 = arith.constant 0 : index
      %get3A_235 = vector.load %arg16[%get3A_233, %get3A_234] : memref<1x560xf32, #tpu.memory_space<vmem>>, vector<1x560xf32>
      %add3A_236 = vector.broadcast %get3A_235 : vector<1x560xf32> to vector<16x560xf32>
      %add3A_237 = arith.addf %dot_general3A_232, %add3A_236 : vector<16x560xf32>
      %custom_jvp_call3A_238 = arith.constant 0.000000e+00 : f32
      %max3A_239 = vector.broadcast %custom_jvp_call3A_238 : f32 to vector<16x560xf32>
      %max3A_240 = arith.maximumf %add3A_237, %max3A_239 : vector<16x560xf32>
      %sub3A_241 = vector.broadcast %custom_jvp_call3A_238 : f32 to vector<16x560xf32>
      %sub3A_242 = arith.subf %add3A_237, %sub3A_241 : vector<16x560xf32>
      %ne3A_243 = arith.cmpf one, %sub3A_242, %sub3A_242 : vector<16x560xf32>
      %add3A_244 = vector.broadcast %custom_jvp_call3A_238 : f32 to vector<16x560xf32>
      %add3A_245 = arith.addf %add3A_237, %add3A_244 : vector<16x560xf32>
      %abs3A_246 = math.absf %sub3A_242 : vector<16x560xf32>
      %neg3A_247 = arith.constant 0.000000e+00 : f32
      %neg3A_248 = vector.broadcast %neg3A_247 : f32 to vector<16x560xf32>
      %neg3A_249 = arith.subf %neg3A_248, %abs3A_246 : vector<16x560xf32>
      %exp3A_250 = math.exp %neg3A_249 : vector<16x560xf32>
      %log1p3A_251 = math.log1p %exp3A_250 : vector<16x560xf32>
      %add3A_252 = arith.addf %max3A_240, %log1p3A_251 : vector<16x560xf32>
      %select_n3A_253 = arith.select %ne3A_243, %add3A_245, %add3A_252 : vector<16x560xi1>, vector<16x560xf32>
      %slice3A_254 = vector.extract_strided_slice %dot_general3A_226 {offsets = [0, 18], sizes = [16, 128], strides = [1, 1]} : vector<16x274xf32> to vector<16x128xf32>
      %get3A_255 = arith.constant 0 : index
      %get3A_256 = arith.constant 0 : index
      %get3A_257 = vector.load %arg14[%get3A_255, %get3A_256] : memref<560x274xf32, #tpu.memory_space<vmem>>, vector<560x274xf32>
      %dot_general3A_258 = arith.constant dense<0.000000e+00> : vector<16x274xf32>
      %dot_general3A_259 = tpu.matmul %mul3A_164, %get3A_257, %dot_general3A_258 {dimension_numbers = #tpu.dot_dimension_numbers<[1], [0], [0], [1], [0, 0, 1, 1], [], []>, transpose_lhs_hint = false} : vector<16x560xf32>, vector<560x274xf32>, vector<16x274xf32> -> vector<16x274xf32>
      %slice3A_260 = vector.extract_strided_slice %dot_general3A_259 {offsets = [0, 0], sizes = [16, 18], strides = [1, 1]} : vector<16x274xf32> to vector<16x18xf32>
      %get3A_261 = arith.constant 0 : index
      %get3A_262 = arith.constant 0 : index
      %get3A_263 = vector.load %arg15[%get3A_261, %get3A_262] : memref<18x560xf32, #tpu.memory_space<vmem>>, vector<18x560xf32>
      %dot_general3A_264 = arith.constant dense<0.000000e+00> : vector<16x560xf32>
      %dot_general3A_265 = tpu.matmul %slice3A_260, %get3A_263, %dot_general3A_264 {dimension_numbers = #tpu.dot_dimension_numbers<[1], [0], [0], [1], [0, 0, 1, 1], [], []>, transpose_lhs_hint = false} : vector<16x18xf32>, vector<18x560xf32>, vector<16x560xf32> -> vector<16x560xf32>
      %get3A_266 = arith.constant 0 : index
      %get3A_267 = arith.constant 0 : index
      %get3A_268 = vector.load %arg16[%get3A_266, %get3A_267] : memref<1x560xf32, #tpu.memory_space<vmem>>, vector<1x560xf32>
      %add3A_269 = vector.broadcast %get3A_268 : vector<1x560xf32> to vector<16x560xf32>
      %add3A_270 = arith.addf %dot_general3A_265, %add3A_269 : vector<16x560xf32>
      %custom_jvp_call3A_271 = arith.constant 0.000000e+00 : f32
      %max3A_272 = vector.broadcast %custom_jvp_call3A_271 : f32 to vector<16x560xf32>
      %max3A_273 = arith.maximumf %add3A_270, %max3A_272 : vector<16x560xf32>
      %sub3A_274 = vector.broadcast %custom_jvp_call3A_271 : f32 to vector<16x560xf32>
      %sub3A_275 = arith.subf %add3A_270, %sub3A_274 : vector<16x560xf32>
      %ne3A_276 = arith.cmpf one, %sub3A_275, %sub3A_275 : vector<16x560xf32>
      %add3A_277 = vector.broadcast %custom_jvp_call3A_271 : f32 to vector<16x560xf32>
      %add3A_278 = arith.addf %add3A_270, %add3A_277 : vector<16x560xf32>
      %abs3A_279 = math.absf %sub3A_275 : vector<16x560xf32>
      %neg3A_280 = arith.constant 0.000000e+00 : f32
      %neg3A_281 = vector.broadcast %neg3A_280 : f32 to vector<16x560xf32>
      %neg3A_282 = arith.subf %neg3A_281, %abs3A_279 : vector<16x560xf32>
      %exp3A_283 = math.exp %neg3A_282 : vector<16x560xf32>
      %log1p3A_284 = math.log1p %exp3A_283 : vector<16x560xf32>
      %add3A_285 = arith.addf %max3A_273, %log1p3A_284 : vector<16x560xf32>
      %select_n3A_286 = arith.select %ne3A_276, %add3A_278, %add3A_285 : vector<16x560xi1>, vector<16x560xf32>
      %slice3A_287 = vector.extract_strided_slice %dot_general3A_259 {offsets = [0, 18], sizes = [16, 128], strides = [1, 1]} : vector<16x274xf32> to vector<16x128xf32>
      %slice3A_288 = vector.extract_strided_slice %dot_general3A_259 {offsets = [0, 146], sizes = [16, 128], strides = [1, 1]} : vector<16x274xf32> to vector<16x128xf32>
      %get3A_289 = arith.constant 0 : index
      %get3A_290 = arith.constant 0 : index
      %get3A_291 = vector.load %arg17[%get3A_289, %get3A_290] : memref<560x128xf32, #tpu.memory_space<vmem>>, vector<560x128xf32>
      %exp3A_292 = math.exp %get3A_291 : vector<560x128xf32>
      %neg3A_293 = arith.constant 0.000000e+00 : f32
      %neg3A_294 = vector.broadcast %neg3A_293 : f32 to vector<560x128xf32>
      %neg3A_295 = arith.subf %neg3A_294, %exp3A_292 : vector<560x128xf32>
      %slice3A_296 = vector.extract_strided_slice %neg3A_295 {offsets = [0, 0], sizes = [256, 128], strides = [1, 1]} : vector<560x128xf32> to vector<256x128xf32>
      %broadcast_in_dim3A_297 = arith.constant 0.000000e+00 : f32
      %broadcast_in_dim3A_298 = vector.broadcast %broadcast_in_dim3A_297 : f32 to vector<16x256x128xf32>
      %slice3A_299 = vector.extract_strided_slice %select_n3A {offsets = [0, 0], sizes = [16, 256], strides = [1, 1]} : vector<16x560xf32> to vector<16x256xf32>
      %broadcast_in_dim3A_300 = vector.shape_cast %slice3A_299 : vector<16x256xf32> to vector<16x256x1xf32>
      %broadcast_in_dim3A_301 = vector.shape_cast %slice3A_296 : vector<256x128xf32> to vector<1x256x128xf32>
      %mul3A_302 = vector.broadcast %broadcast_in_dim3A_300 : vector<16x256x1xf32> to vector<16x256x128xf32>
      %mul3A_303 = vector.broadcast %broadcast_in_dim3A_301 : vector<1x256x128xf32> to vector<16x256x128xf32>
      %mul3A_304 = arith.mulf %mul3A_302, %mul3A_303 : vector<16x256x128xf32>
      %exp3A_305 = math.exp %mul3A_304 : vector<16x256x128xf32>
      %mul3A_306 = arith.mulf %exp3A_305, %broadcast_in_dim3A_298 : vector<16x256x128xf32>
      %slice3A_307 = vector.extract_strided_slice %select_n3A {offsets = [0, 0], sizes = [16, 256], strides = [1, 1]} : vector<16x560xf32> to vector<16x256xf32>
      %slice3A_308 = vector.extract_strided_slice %mul3A_59 {offsets = [0, 0], sizes = [16, 256], strides = [1, 1]} : vector<16x560xf32> to vector<16x256xf32>
      %mul3A_309 = arith.mulf %slice3A_307, %slice3A_308 : vector<16x256xf32>
      %broadcast_in_dim3A_310 = vector.shape_cast %mul3A_309 : vector<16x256xf32> to vector<16x256x1xf32>
      %broadcast_in_dim3A_311 = vector.shape_cast %slice3A_188 : vector<16x128xf32> to vector<16x1x128xf32>
      %mul3A_312 = vector.broadcast %broadcast_in_dim3A_310 : vector<16x256x1xf32> to vector<16x256x128xf32>
      %mul3A_313 = vector.broadcast %broadcast_in_dim3A_311 : vector<16x1x128xf32> to vector<16x256x128xf32>
      %mul3A_314 = arith.mulf %mul3A_312, %mul3A_313 : vector<16x256x128xf32>
      %add3A_315 = arith.addf %mul3A_306, %mul3A_314 : vector<16x256x128xf32>
      %slice3A_316 = vector.extract_strided_slice %select_n3A_220 {offsets = [0, 0], sizes = [16, 256], strides = [1, 1]} : vector<16x560xf32> to vector<16x256xf32>
      %broadcast_in_dim3A_317 = vector.shape_cast %slice3A_316 : vector<16x256xf32> to vector<16x256x1xf32>
      %broadcast_in_dim3A_318 = vector.shape_cast %slice3A_296 : vector<256x128xf32> to vector<1x256x128xf32>
      %mul3A_319 = vector.broadcast %broadcast_in_dim3A_317 : vector<16x256x1xf32> to vector<16x256x128xf32>
      %mul3A_320 = vector.broadcast %broadcast_in_dim3A_318 : vector<1x256x128xf32> to vector<16x256x128xf32>
      %mul3A_321 = arith.mulf %mul3A_319, %mul3A_320 : vector<16x256x128xf32>
      %exp3A_322 = math.exp %mul3A_321 : vector<16x256x128xf32>
      %mul3A_323 = arith.mulf %exp3A_322, %add3A_315 : vector<16x256x128xf32>
      %slice3A_324 = vector.extract_strided_slice %select_n3A_220 {offsets = [0, 0], sizes = [16, 256], strides = [1, 1]} : vector<16x560xf32> to vector<16x256xf32>
      %slice3A_325 = vector.extract_strided_slice %mul3A_86 {offsets = [0, 0], sizes = [16, 256], strides = [1, 1]} : vector<16x560xf32> to vector<16x256xf32>
      %mul3A_326 = arith.mulf %slice3A_324, %slice3A_325 : vector<16x256xf32>
      %broadcast_in_dim3A_327 = vector.shape_cast %mul3A_326 : vector<16x256xf32> to vector<16x256x1xf32>
      %broadcast_in_dim3A_328 = vector.shape_cast %slice3A_221 : vector<16x128xf32> to vector<16x1x128xf32>
      %mul3A_329 = vector.broadcast %broadcast_in_dim3A_327 : vector<16x256x1xf32> to vector<16x256x128xf32>
      %mul3A_330 = vector.broadcast %broadcast_in_dim3A_328 : vector<16x1x128xf32> to vector<16x256x128xf32>
      %mul3A_331 = arith.mulf %mul3A_329, %mul3A_330 : vector<16x256x128xf32>
      %add3A_332 = arith.addf %mul3A_323, %mul3A_331 : vector<16x256x128xf32>
      %slice3A_333 = vector.extract_strided_slice %select_n3A_253 {offsets = [0, 0], sizes = [16, 256], strides = [1, 1]} : vector<16x560xf32> to vector<16x256xf32>
      %broadcast_in_dim3A_334 = vector.shape_cast %slice3A_333 : vector<16x256xf32> to vector<16x256x1xf32>
      %broadcast_in_dim3A_335 = vector.shape_cast %slice3A_296 : vector<256x128xf32> to vector<1x256x128xf32>
      %mul3A_336 = vector.broadcast %broadcast_in_dim3A_334 : vector<16x256x1xf32> to vector<16x256x128xf32>
      %mul3A_337 = vector.broadcast %broadcast_in_dim3A_335 : vector<1x256x128xf32> to vector<16x256x128xf32>
      %mul3A_338 = arith.mulf %mul3A_336, %mul3A_337 : vector<16x256x128xf32>
      %exp3A_339 = math.exp %mul3A_338 : vector<16x256x128xf32>
      %mul3A_340 = arith.mulf %exp3A_339, %add3A_332 : vector<16x256x128xf32>
      %slice3A_341 = vector.extract_strided_slice %select_n3A_253 {offsets = [0, 0], sizes = [16, 256], strides = [1, 1]} : vector<16x560xf32> to vector<16x256xf32>
      %slice3A_342 = vector.extract_strided_slice %mul3A_121 {offsets = [0, 0], sizes = [16, 256], strides = [1, 1]} : vector<16x560xf32> to vector<16x256xf32>
      %mul3A_343 = arith.mulf %slice3A_341, %slice3A_342 : vector<16x256xf32>
      %broadcast_in_dim3A_344 = vector.shape_cast %mul3A_343 : vector<16x256xf32> to vector<16x256x1xf32>
      %broadcast_in_dim3A_345 = vector.shape_cast %slice3A_254 : vector<16x128xf32> to vector<16x1x128xf32>
      %mul3A_346 = vector.broadcast %broadcast_in_dim3A_344 : vector<16x256x1xf32> to vector<16x256x128xf32>
      %mul3A_347 = vector.broadcast %broadcast_in_dim3A_345 : vector<16x1x128xf32> to vector<16x256x128xf32>
      %mul3A_348 = arith.mulf %mul3A_346, %mul3A_347 : vector<16x256x128xf32>
      %add3A_349 = arith.addf %mul3A_340, %mul3A_348 : vector<16x256x128xf32>
      %slice3A_350 = vector.extract_strided_slice %select_n3A_286 {offsets = [0, 0], sizes = [16, 256], strides = [1, 1]} : vector<16x560xf32> to vector<16x256xf32>
      %broadcast_in_dim3A_351 = vector.shape_cast %slice3A_350 : vector<16x256xf32> to vector<16x256x1xf32>
      %broadcast_in_dim3A_352 = vector.shape_cast %slice3A_296 : vector<256x128xf32> to vector<1x256x128xf32>
      %mul3A_353 = vector.broadcast %broadcast_in_dim3A_351 : vector<16x256x1xf32> to vector<16x256x128xf32>
      %mul3A_354 = vector.broadcast %broadcast_in_dim3A_352 : vector<1x256x128xf32> to vector<16x256x128xf32>
      %mul3A_355 = arith.mulf %mul3A_353, %mul3A_354 : vector<16x256x128xf32>
      %exp3A_356 = math.exp %mul3A_355 : vector<16x256x128xf32>
      %mul3A_357 = arith.mulf %exp3A_356, %add3A_349 : vector<16x256x128xf32>
      %slice3A_358 = vector.extract_strided_slice %select_n3A_286 {offsets = [0, 0], sizes = [16, 256], strides = [1, 1]} : vector<16x560xf32> to vector<16x256xf32>
      %slice3A_359 = vector.extract_strided_slice %mul3A_164 {offsets = [0, 0], sizes = [16, 256], strides = [1, 1]} : vector<16x560xf32> to vector<16x256xf32>
      %mul3A_360 = arith.mulf %slice3A_358, %slice3A_359 : vector<16x256xf32>
      %broadcast_in_dim3A_361 = vector.shape_cast %mul3A_360 : vector<16x256xf32> to vector<16x256x1xf32>
      %broadcast_in_dim3A_362 = vector.shape_cast %slice3A_287 : vector<16x128xf32> to vector<16x1x128xf32>
      %mul3A_363 = vector.broadcast %broadcast_in_dim3A_361 : vector<16x256x1xf32> to vector<16x256x128xf32>
      %mul3A_364 = vector.broadcast %broadcast_in_dim3A_362 : vector<16x1x128xf32> to vector<16x256x128xf32>
      %mul3A_365 = arith.mulf %mul3A_363, %mul3A_364 : vector<16x256x128xf32>
      %add3A_366 = arith.addf %mul3A_357, %mul3A_365 : vector<16x256x128xf32>
      %broadcast_in_dim3A_367 = vector.shape_cast %slice3A_288 : vector<16x128xf32> to vector<16x1x128xf32>
      %mul3A_368 = vector.broadcast %broadcast_in_dim3A_367 : vector<16x1x128xf32> to vector<16x256x128xf32>
      %mul3A_369 = arith.mulf %add3A_366, %mul3A_368 : vector<16x256x128xf32>
      %reduce_sum3A = arith.constant dense<0.000000e+00> : vector<16x256xf32>
      %reduce_sum3A_370 = vector.multi_reduction <add>, %mul3A_369, %reduce_sum3A [2] : vector<16x256x128xf32> to vector<16x256xf32>
      %slice3A_371 = vector.extract_strided_slice %neg3A_295 {offsets = [256, 0], sizes = [256, 128], strides = [1, 1]} : vector<560x128xf32> to vector<256x128xf32>
      %broadcast_in_dim3A_372 = arith.constant 0.000000e+00 : f32
      %broadcast_in_dim3A_373 = vector.broadcast %broadcast_in_dim3A_372 : f32 to vector<16x256x128xf32>
      %slice3A_374 = vector.extract_strided_slice %select_n3A {offsets = [0, 256], sizes = [16, 256], strides = [1, 1]} : vector<16x560xf32> to vector<16x256xf32>
      %broadcast_in_dim3A_375 = vector.shape_cast %slice3A_374 : vector<16x256xf32> to vector<16x256x1xf32>
      %broadcast_in_dim3A_376 = vector.shape_cast %slice3A_371 : vector<256x128xf32> to vector<1x256x128xf32>
      %mul3A_377 = vector.broadcast %broadcast_in_dim3A_375 : vector<16x256x1xf32> to vector<16x256x128xf32>
      %mul3A_378 = vector.broadcast %broadcast_in_dim3A_376 : vector<1x256x128xf32> to vector<16x256x128xf32>
      %mul3A_379 = arith.mulf %mul3A_377, %mul3A_378 : vector<16x256x128xf32>
      %exp3A_380 = math.exp %mul3A_379 : vector<16x256x128xf32>
      %mul3A_381 = arith.mulf %exp3A_380, %broadcast_in_dim3A_373 : vector<16x256x128xf32>
      %slice3A_382 = vector.extract_strided_slice %select_n3A {offsets = [0, 256], sizes = [16, 256], strides = [1, 1]} : vector<16x560xf32> to vector<16x256xf32>
      %slice3A_383 = vector.extract_strided_slice %mul3A_59 {offsets = [0, 256], sizes = [16, 256], strides = [1, 1]} : vector<16x560xf32> to vector<16x256xf32>
      %mul3A_384 = arith.mulf %slice3A_382, %slice3A_383 : vector<16x256xf32>
      %broadcast_in_dim3A_385 = vector.shape_cast %mul3A_384 : vector<16x256xf32> to vector<16x256x1xf32>
      %broadcast_in_dim3A_386 = vector.shape_cast %slice3A_188 : vector<16x128xf32> to vector<16x1x128xf32>
      %mul3A_387 = vector.broadcast %broadcast_in_dim3A_385 : vector<16x256x1xf32> to vector<16x256x128xf32>
      %mul3A_388 = vector.broadcast %broadcast_in_dim3A_386 : vector<16x1x128xf32> to vector<16x256x128xf32>
      %mul3A_389 = arith.mulf %mul3A_387, %mul3A_388 : vector<16x256x128xf32>
      %add3A_390 = arith.addf %mul3A_381, %mul3A_389 : vector<16x256x128xf32>
      %slice3A_391 = vector.extract_strided_slice %select_n3A_220 {offsets = [0, 256], sizes = [16, 256], strides = [1, 1]} : vector<16x560xf32> to vector<16x256xf32>
      %broadcast_in_dim3A_392 = vector.shape_cast %slice3A_391 : vector<16x256xf32> to vector<16x256x1xf32>
      %broadcast_in_dim3A_393 = vector.shape_cast %slice3A_371 : vector<256x128xf32> to vector<1x256x128xf32>
      %mul3A_394 = vector.broadcast %broadcast_in_dim3A_392 : vector<16x256x1xf32> to vector<16x256x128xf32>
      %mul3A_395 = vector.broadcast %broadcast_in_dim3A_393 : vector<1x256x128xf32> to vector<16x256x128xf32>
      %mul3A_396 = arith.mulf %mul3A_394, %mul3A_395 : vector<16x256x128xf32>
      %exp3A_397 = math.exp %mul3A_396 : vector<16x256x128xf32>
      %mul3A_398 = arith.mulf %exp3A_397, %add3A_390 : vector<16x256x128xf32>
      %slice3A_399 = vector.extract_strided_slice %select_n3A_220 {offsets = [0, 256], sizes = [16, 256], strides = [1, 1]} : vector<16x560xf32> to vector<16x256xf32>
      %slice3A_400 = vector.extract_strided_slice %mul3A_86 {offsets = [0, 256], sizes = [16, 256], strides = [1, 1]} : vector<16x560xf32> to vector<16x256xf32>
      %mul3A_401 = arith.mulf %slice3A_399, %slice3A_400 : vector<16x256xf32>
      %broadcast_in_dim3A_402 = vector.shape_cast %mul3A_401 : vector<16x256xf32> to vector<16x256x1xf32>
      %broadcast_in_dim3A_403 = vector.shape_cast %slice3A_221 : vector<16x128xf32> to vector<16x1x128xf32>
      %mul3A_404 = vector.broadcast %broadcast_in_dim3A_402 : vector<16x256x1xf32> to vector<16x256x128xf32>
      %mul3A_405 = vector.broadcast %broadcast_in_dim3A_403 : vector<16x1x128xf32> to vector<16x256x128xf32>
      %mul3A_406 = arith.mulf %mul3A_404, %mul3A_405 : vector<16x256x128xf32>
      %add3A_407 = arith.addf %mul3A_398, %mul3A_406 : vector<16x256x128xf32>
      %slice3A_408 = vector.extract_strided_slice %select_n3A_253 {offsets = [0, 256], sizes = [16, 256], strides = [1, 1]} : vector<16x560xf32> to vector<16x256xf32>
      %broadcast_in_dim3A_409 = vector.shape_cast %slice3A_408 : vector<16x256xf32> to vector<16x256x1xf32>
      %broadcast_in_dim3A_410 = vector.shape_cast %slice3A_371 : vector<256x128xf32> to vector<1x256x128xf32>
      %mul3A_411 = vector.broadcast %broadcast_in_dim3A_409 : vector<16x256x1xf32> to vector<16x256x128xf32>
      %mul3A_412 = vector.broadcast %broadcast_in_dim3A_410 : vector<1x256x128xf32> to vector<16x256x128xf32>
      %mul3A_413 = arith.mulf %mul3A_411, %mul3A_412 : vector<16x256x128xf32>
      %exp3A_414 = math.exp %mul3A_413 : vector<16x256x128xf32>
      %mul3A_415 = arith.mulf %exp3A_414, %add3A_407 : vector<16x256x128xf32>
      %slice3A_416 = vector.extract_strided_slice %select_n3A_253 {offsets = [0, 256], sizes = [16, 256], strides = [1, 1]} : vector<16x560xf32> to vector<16x256xf32>
      %slice3A_417 = vector.extract_strided_slice %mul3A_121 {offsets = [0, 256], sizes = [16, 256], strides = [1, 1]} : vector<16x560xf32> to vector<16x256xf32>
      %mul3A_418 = arith.mulf %slice3A_416, %slice3A_417 : vector<16x256xf32>
      %broadcast_in_dim3A_419 = vector.shape_cast %mul3A_418 : vector<16x256xf32> to vector<16x256x1xf32>
      %broadcast_in_dim3A_420 = vector.shape_cast %slice3A_254 : vector<16x128xf32> to vector<16x1x128xf32>
      %mul3A_421 = vector.broadcast %broadcast_in_dim3A_419 : vector<16x256x1xf32> to vector<16x256x128xf32>
      %mul3A_422 = vector.broadcast %broadcast_in_dim3A_420 : vector<16x1x128xf32> to vector<16x256x128xf32>
      %mul3A_423 = arith.mulf %mul3A_421, %mul3A_422 : vector<16x256x128xf32>
      %add3A_424 = arith.addf %mul3A_415, %mul3A_423 : vector<16x256x128xf32>
      %slice3A_425 = vector.extract_strided_slice %select_n3A_286 {offsets = [0, 256], sizes = [16, 256], strides = [1, 1]} : vector<16x560xf32> to vector<16x256xf32>
      %broadcast_in_dim3A_426 = vector.shape_cast %slice3A_425 : vector<16x256xf32> to vector<16x256x1xf32>
      %broadcast_in_dim3A_427 = vector.shape_cast %slice3A_371 : vector<256x128xf32> to vector<1x256x128xf32>
      %mul3A_428 = vector.broadcast %broadcast_in_dim3A_426 : vector<16x256x1xf32> to vector<16x256x128xf32>
      %mul3A_429 = vector.broadcast %broadcast_in_dim3A_427 : vector<1x256x128xf32> to vector<16x256x128xf32>
      %mul3A_430 = arith.mulf %mul3A_428, %mul3A_429 : vector<16x256x128xf32>
      %exp3A_431 = math.exp %mul3A_430 : vector<16x256x128xf32>
      %mul3A_432 = arith.mulf %exp3A_431, %add3A_424 : vector<16x256x128xf32>
      %slice3A_433 = vector.extract_strided_slice %select_n3A_286 {offsets = [0, 256], sizes = [16, 256], strides = [1, 1]} : vector<16x560xf32> to vector<16x256xf32>
      %slice3A_434 = vector.extract_strided_slice %mul3A_164 {offsets = [0, 256], sizes = [16, 256], strides = [1, 1]} : vector<16x560xf32> to vector<16x256xf32>
      %mul3A_435 = arith.mulf %slice3A_433, %slice3A_434 : vector<16x256xf32>
      %broadcast_in_dim3A_436 = vector.shape_cast %mul3A_435 : vector<16x256xf32> to vector<16x256x1xf32>
      %broadcast_in_dim3A_437 = vector.shape_cast %slice3A_287 : vector<16x128xf32> to vector<16x1x128xf32>
      %mul3A_438 = vector.broadcast %broadcast_in_dim3A_436 : vector<16x256x1xf32> to vector<16x256x128xf32>
      %mul3A_439 = vector.broadcast %broadcast_in_dim3A_437 : vector<16x1x128xf32> to vector<16x256x128xf32>
      %mul3A_440 = arith.mulf %mul3A_438, %mul3A_439 : vector<16x256x128xf32>
      %add3A_441 = arith.addf %mul3A_432, %mul3A_440 : vector<16x256x128xf32>
      %broadcast_in_dim3A_442 = vector.shape_cast %slice3A_288 : vector<16x128xf32> to vector<16x1x128xf32>
      %mul3A_443 = vector.broadcast %broadcast_in_dim3A_442 : vector<16x1x128xf32> to vector<16x256x128xf32>
      %mul3A_444 = arith.mulf %add3A_441, %mul3A_443 : vector<16x256x128xf32>
      %reduce_sum3A_445 = arith.constant dense<0.000000e+00> : vector<16x256xf32>
      %reduce_sum3A_446 = vector.multi_reduction <add>, %mul3A_444, %reduce_sum3A_445 [2] : vector<16x256x128xf32> to vector<16x256xf32>
      %slice3A_447 = vector.extract_strided_slice %neg3A_295 {offsets = [512, 0], sizes = [48, 128], strides = [1, 1]} : vector<560x128xf32> to vector<48x128xf32>
      %broadcast_in_dim3A_448 = arith.constant 0.000000e+00 : f32
      %broadcast_in_dim3A_449 = vector.broadcast %broadcast_in_dim3A_448 : f32 to vector<16x48x128xf32>
      %slice3A_450 = vector.extract_strided_slice %select_n3A {offsets = [0, 512], sizes = [16, 48], strides = [1, 1]} : vector<16x560xf32> to vector<16x48xf32>
      %broadcast_in_dim3A_451 = vector.shape_cast %slice3A_450 : vector<16x48xf32> to vector<16x48x1xf32>
      %broadcast_in_dim3A_452 = vector.shape_cast %slice3A_447 : vector<48x128xf32> to vector<1x48x128xf32>
      %mul3A_453 = vector.broadcast %broadcast_in_dim3A_451 : vector<16x48x1xf32> to vector<16x48x128xf32>
      %mul3A_454 = vector.broadcast %broadcast_in_dim3A_452 : vector<1x48x128xf32> to vector<16x48x128xf32>
      %mul3A_455 = arith.mulf %mul3A_453, %mul3A_454 : vector<16x48x128xf32>
      %exp3A_456 = math.exp %mul3A_455 : vector<16x48x128xf32>
      %mul3A_457 = arith.mulf %exp3A_456, %broadcast_in_dim3A_449 : vector<16x48x128xf32>
      %slice3A_458 = vector.extract_strided_slice %select_n3A {offsets = [0, 512], sizes = [16, 48], strides = [1, 1]} : vector<16x560xf32> to vector<16x48xf32>
      %slice3A_459 = vector.extract_strided_slice %mul3A_59 {offsets = [0, 512], sizes = [16, 48], strides = [1, 1]} : vector<16x560xf32> to vector<16x48xf32>
      %mul3A_460 = arith.mulf %slice3A_458, %slice3A_459 : vector<16x48xf32>
      %broadcast_in_dim3A_461 = vector.shape_cast %mul3A_460 : vector<16x48xf32> to vector<16x48x1xf32>
      %broadcast_in_dim3A_462 = vector.shape_cast %slice3A_188 : vector<16x128xf32> to vector<16x1x128xf32>
      %mul3A_463 = vector.broadcast %broadcast_in_dim3A_461 : vector<16x48x1xf32> to vector<16x48x128xf32>
      %mul3A_464 = vector.broadcast %broadcast_in_dim3A_462 : vector<16x1x128xf32> to vector<16x48x128xf32>
      %mul3A_465 = arith.mulf %mul3A_463, %mul3A_464 : vector<16x48x128xf32>
      %add3A_466 = arith.addf %mul3A_457, %mul3A_465 : vector<16x48x128xf32>
      %slice3A_467 = vector.extract_strided_slice %select_n3A_220 {offsets = [0, 512], sizes = [16, 48], strides = [1, 1]} : vector<16x560xf32> to vector<16x48xf32>
      %broadcast_in_dim3A_468 = vector.shape_cast %slice3A_467 : vector<16x48xf32> to vector<16x48x1xf32>
      %broadcast_in_dim3A_469 = vector.shape_cast %slice3A_447 : vector<48x128xf32> to vector<1x48x128xf32>
      %mul3A_470 = vector.broadcast %broadcast_in_dim3A_468 : vector<16x48x1xf32> to vector<16x48x128xf32>
      %mul3A_471 = vector.broadcast %broadcast_in_dim3A_469 : vector<1x48x128xf32> to vector<16x48x128xf32>
      %mul3A_472 = arith.mulf %mul3A_470, %mul3A_471 : vector<16x48x128xf32>
      %exp3A_473 = math.exp %mul3A_472 : vector<16x48x128xf32>
      %mul3A_474 = arith.mulf %exp3A_473, %add3A_466 : vector<16x48x128xf32>
      %slice3A_475 = vector.extract_strided_slice %select_n3A_220 {offsets = [0, 512], sizes = [16, 48], strides = [1, 1]} : vector<16x560xf32> to vector<16x48xf32>
      %slice3A_476 = vector.extract_strided_slice %mul3A_86 {offsets = [0, 512], sizes = [16, 48], strides = [1, 1]} : vector<16x560xf32> to vector<16x48xf32>
      %mul3A_477 = arith.mulf %slice3A_475, %slice3A_476 : vector<16x48xf32>
      %broadcast_in_dim3A_478 = vector.shape_cast %mul3A_477 : vector<16x48xf32> to vector<16x48x1xf32>
      %broadcast_in_dim3A_479 = vector.shape_cast %slice3A_221 : vector<16x128xf32> to vector<16x1x128xf32>
      %mul3A_480 = vector.broadcast %broadcast_in_dim3A_478 : vector<16x48x1xf32> to vector<16x48x128xf32>
      %mul3A_481 = vector.broadcast %broadcast_in_dim3A_479 : vector<16x1x128xf32> to vector<16x48x128xf32>
      %mul3A_482 = arith.mulf %mul3A_480, %mul3A_481 : vector<16x48x128xf32>
      %add3A_483 = arith.addf %mul3A_474, %mul3A_482 : vector<16x48x128xf32>
      %slice3A_484 = vector.extract_strided_slice %select_n3A_253 {offsets = [0, 512], sizes = [16, 48], strides = [1, 1]} : vector<16x560xf32> to vector<16x48xf32>
      %broadcast_in_dim3A_485 = vector.shape_cast %slice3A_484 : vector<16x48xf32> to vector<16x48x1xf32>
      %broadcast_in_dim3A_486 = vector.shape_cast %slice3A_447 : vector<48x128xf32> to vector<1x48x128xf32>
      %mul3A_487 = vector.broadcast %broadcast_in_dim3A_485 : vector<16x48x1xf32> to vector<16x48x128xf32>
      %mul3A_488 = vector.broadcast %broadcast_in_dim3A_486 : vector<1x48x128xf32> to vector<16x48x128xf32>
      %mul3A_489 = arith.mulf %mul3A_487, %mul3A_488 : vector<16x48x128xf32>
      %exp3A_490 = math.exp %mul3A_489 : vector<16x48x128xf32>
      %mul3A_491 = arith.mulf %exp3A_490, %add3A_483 : vector<16x48x128xf32>
      %slice3A_492 = vector.extract_strided_slice %select_n3A_253 {offsets = [0, 512], sizes = [16, 48], strides = [1, 1]} : vector<16x560xf32> to vector<16x48xf32>
      %slice3A_493 = vector.extract_strided_slice %mul3A_121 {offsets = [0, 512], sizes = [16, 48], strides = [1, 1]} : vector<16x560xf32> to vector<16x48xf32>
      %mul3A_494 = arith.mulf %slice3A_492, %slice3A_493 : vector<16x48xf32>
      %broadcast_in_dim3A_495 = vector.shape_cast %mul3A_494 : vector<16x48xf32> to vector<16x48x1xf32>
      %broadcast_in_dim3A_496 = vector.shape_cast %slice3A_254 : vector<16x128xf32> to vector<16x1x128xf32>
      %mul3A_497 = vector.broadcast %broadcast_in_dim3A_495 : vector<16x48x1xf32> to vector<16x48x128xf32>
      %mul3A_498 = vector.broadcast %broadcast_in_dim3A_496 : vector<16x1x128xf32> to vector<16x48x128xf32>
      %mul3A_499 = arith.mulf %mul3A_497, %mul3A_498 : vector<16x48x128xf32>
      %add3A_500 = arith.addf %mul3A_491, %mul3A_499 : vector<16x48x128xf32>
      %slice3A_501 = vector.extract_strided_slice %select_n3A_286 {offsets = [0, 512], sizes = [16, 48], strides = [1, 1]} : vector<16x560xf32> to vector<16x48xf32>
      %broadcast_in_dim3A_502 = vector.shape_cast %slice3A_501 : vector<16x48xf32> to vector<16x48x1xf32>
      %broadcast_in_dim3A_503 = vector.shape_cast %slice3A_447 : vector<48x128xf32> to vector<1x48x128xf32>
      %mul3A_504 = vector.broadcast %broadcast_in_dim3A_502 : vector<16x48x1xf32> to vector<16x48x128xf32>
      %mul3A_505 = vector.broadcast %broadcast_in_dim3A_503 : vector<1x48x128xf32> to vector<16x48x128xf32>
      %mul3A_506 = arith.mulf %mul3A_504, %mul3A_505 : vector<16x48x128xf32>
      %exp3A_507 = math.exp %mul3A_506 : vector<16x48x128xf32>
      %mul3A_508 = arith.mulf %exp3A_507, %add3A_500 : vector<16x48x128xf32>
      %slice3A_509 = vector.extract_strided_slice %select_n3A_286 {offsets = [0, 512], sizes = [16, 48], strides = [1, 1]} : vector<16x560xf32> to vector<16x48xf32>
      %slice3A_510 = vector.extract_strided_slice %mul3A_164 {offsets = [0, 512], sizes = [16, 48], strides = [1, 1]} : vector<16x560xf32> to vector<16x48xf32>
      %mul3A_511 = arith.mulf %slice3A_509, %slice3A_510 : vector<16x48xf32>
      %broadcast_in_dim3A_512 = vector.shape_cast %mul3A_511 : vector<16x48xf32> to vector<16x48x1xf32>
      %broadcast_in_dim3A_513 = vector.shape_cast %slice3A_287 : vector<16x128xf32> to vector<16x1x128xf32>
      %mul3A_514 = vector.broadcast %broadcast_in_dim3A_512 : vector<16x48x1xf32> to vector<16x48x128xf32>
      %mul3A_515 = vector.broadcast %broadcast_in_dim3A_513 : vector<16x1x128xf32> to vector<16x48x128xf32>
      %mul3A_516 = arith.mulf %mul3A_514, %mul3A_515 : vector<16x48x128xf32>
      %add3A_517 = arith.addf %mul3A_508, %mul3A_516 : vector<16x48x128xf32>
      %broadcast_in_dim3A_518 = vector.shape_cast %slice3A_288 : vector<16x128xf32> to vector<16x1x128xf32>
      %mul3A_519 = vector.broadcast %broadcast_in_dim3A_518 : vector<16x1x128xf32> to vector<16x48x128xf32>
      %mul3A_520 = arith.mulf %add3A_517, %mul3A_519 : vector<16x48x128xf32>
      %reduce_sum3A_521 = arith.constant dense<0.000000e+00> : vector<16x48xf32>
      %reduce_sum3A_522 = vector.multi_reduction <add>, %mul3A_520, %reduce_sum3A_521 [2] : vector<16x48x128xf32> to vector<16x48xf32>
      %concatenate3A = tpu.concatenate %reduce_sum3A_370, %reduce_sum3A_446, %reduce_sum3A_522 in 1 : vector<16x256xf32>, vector<16x256xf32>, vector<16x48xf32> -> vector<16x560xf32>
      %get3A_523 = arith.constant 0 : index
      %get3A_524 = arith.constant 0 : index
      %get3A_525 = vector.load %arg18[%get3A_523, %get3A_524] : memref<1x560xf32, #tpu.memory_space<vmem>>, vector<1x560xf32>
      %mul3A_526 = vector.broadcast %get3A_525 : vector<1x560xf32> to vector<16x560xf32>
      %mul3A_527 = arith.mulf %mul3A_526, %mul3A_164 : vector<16x560xf32>
      %add3A_528 = arith.addf %concatenate3A, %mul3A_527 : vector<16x560xf32>
      %logistic3A_529 = arith.negf %slice3A_44 : vector<16x560xf32>
      %logistic3A_530 = math.exp %logistic3A_529 : vector<16x560xf32>
      %logistic3A_531 = arith.constant 1.000000e+00 : f32
      %logistic3A_532 = vector.broadcast %logistic3A_531 : f32 to vector<16x560xf32>
      %logistic3A_533 = arith.addf %logistic3A_532, %logistic3A_530 : vector<16x560xf32>
      %logistic3A_534 = arith.divf %logistic3A_532, %logistic3A_533 : vector<16x560xf32>
      %mul3A_535 = arith.mulf %slice3A_44, %logistic3A_534 : vector<16x560xf32>
      %mul3A_536 = arith.mulf %add3A_528, %mul3A_535 : vector<16x560xf32>
      %get3A_537 = arith.constant 0 : index
      %get3A_538 = arith.constant 0 : index
      %get3A_539 = vector.load %arg19[%get3A_537, %get3A_538] : memref<560x280xf32, #tpu.memory_space<vmem>>, vector<560x280xf32>
      %dot_general3A_540 = arith.constant dense<0.000000e+00> : vector<16x280xf32>
      %dot_general3A_541 = tpu.matmul %mul3A_536, %get3A_539, %dot_general3A_540 {dimension_numbers = #tpu.dot_dimension_numbers<[1], [0], [0], [1], [0, 0, 1, 1], [], []>, transpose_lhs_hint = false} : vector<16x560xf32>, vector<560x280xf32>, vector<16x280xf32> -> vector<16x280xf32>
      %get3A_542 = arith.constant 0 : index
      %get3A_543 = arith.constant 0 : index
      %get3A_544 = vector.load %arg20[%get3A_542, %get3A_543] : memref<1x280xf32, #tpu.memory_space<vmem>>, vector<1x280xf32>
      %get3A_545 = arith.constant 0 : index
      %get3A_546 = arith.constant 0 : index
      %get3A_547 = vector.load %arg21[%get3A_545, %get3A_546] : memref<1x280xf32, #tpu.memory_space<vmem>>, vector<1x280xf32>
      %reduce_sum3A_548 = arith.constant dense<0.000000e+00> : vector<16xf32>
      %reduce_sum3A_549 = vector.multi_reduction <add>, %dot_general3A_541, %reduce_sum3A_548 [1] : vector<16x280xf32> to vector<16xf32>
      %broadcast_in_dim3A_550 = vector.shape_cast %reduce_sum3A_549 : vector<16xf32> to vector<16x1xf32>
      %div3A = arith.constant 2.800000e+02 : f32
      %div3A_551 = vector.broadcast %div3A : f32 to vector<16x1xf32>
      %div3A_552 = arith.divf %broadcast_in_dim3A_550, %div3A_551 : vector<16x1xf32>
      %jit3A = arith.constant 0 : i32
      %reduce_sum3A_553 = arith.constant dense<0.000000e+00> : vector<16xf32>
      %reduce_sum3A_554 = vector.multi_reduction <add>, %dot_general3A_541, %reduce_sum3A_553 [1] : vector<16x280xf32> to vector<16xf32>
      %broadcast_in_dim3A_555 = vector.shape_cast %reduce_sum3A_554 : vector<16xf32> to vector<16x1xf32>
      %div3A_556 = arith.constant 2.800000e+02 : f32
      %div3A_557 = vector.broadcast %div3A_556 : f32 to vector<16x1xf32>
      %div3A_558 = arith.divf %broadcast_in_dim3A_555, %div3A_557 : vector<16x1xf32>
      %sub3A_559 = vector.broadcast %div3A_558 : vector<16x1xf32> to vector<16x280xf32>
      %sub3A_560 = arith.subf %dot_general3A_541, %sub3A_559 : vector<16x280xf32>
      %square3A = arith.mulf %sub3A_560, %sub3A_560 : vector<16x280xf32>
      %convert_element_type3A_561 = arith.sitofp %jit3A : i32 to f32
      %sub3A_562 = arith.constant 2.800000e+02 : f32
      %sub3A_563 = arith.subf %sub3A_562, %convert_element_type3A_561 : f32
      %reduce_sum3A_564 = arith.constant dense<0.000000e+00> : vector<16xf32>
      %reduce_sum3A_565 = vector.multi_reduction <add>, %square3A, %reduce_sum3A_564 [1] : vector<16x280xf32> to vector<16xf32>
      %broadcast_in_dim3A_566 = vector.shape_cast %reduce_sum3A_565 : vector<16xf32> to vector<16x1xf32>
      %div3A_567 = vector.broadcast %sub3A_563 : f32 to vector<16x1xf32>
      %div3A_568 = arith.divf %broadcast_in_dim3A_566, %div3A_567 : vector<16x1xf32>
      %gt3A = arith.constant 0.000000e+00 : f32
      %gt3A_569 = arith.cmpf ogt, %sub3A_563, %gt3A : f32
      %jit3A_570 = arith.constant 0x7FC00000 : f32
      %broadcast_in_dim3A_571 = vector.broadcast %jit3A_570 : f32 to vector<16x1xf32>
      %select_n3A_572 = arith.select %gt3A_569, %div3A_568, %broadcast_in_dim3A_571 : vector<16x1xf32>
      %sub3A_573 = vector.broadcast %div3A_552 : vector<16x1xf32> to vector<16x280xf32>
      %sub3A_574 = arith.subf %dot_general3A_541, %sub3A_573 : vector<16x280xf32>
      %add3A_575 = arith.constant 9.99999974E-6 : f32
      %add3A_576 = vector.broadcast %add3A_575 : f32 to vector<16x1xf32>
      %add3A_577 = arith.addf %select_n3A_572, %add3A_576 : vector<16x1xf32>
      %sqrt3A = math.sqrt %add3A_577 : vector<16x1xf32>
      %div3A_578 = vector.broadcast %sqrt3A : vector<16x1xf32> to vector<16x280xf32>
      %div3A_579 = arith.divf %sub3A_574, %div3A_578 : vector<16x280xf32>
      %mul3A_580 = vector.broadcast %get3A_544 : vector<1x280xf32> to vector<16x280xf32>
      %mul3A_581 = arith.mulf %div3A_579, %mul3A_580 : vector<16x280xf32>
      %add3A_582 = vector.broadcast %get3A_547 : vector<1x280xf32> to vector<16x280xf32>
      %add3A_583 = arith.addf %mul3A_581, %add3A_582 : vector<16x280xf32>
      %get3A_584 = arith.constant 0 : index
      %get3A_585 = arith.constant 0 : index
      %get3A_586 = vector.load %arg23[%get3A_584, %get3A_585] : memref<280x256xf32, #tpu.memory_space<vmem>>, vector<280x256xf32>
      %dot_general3A_587 = arith.constant dense<0.000000e+00> : vector<16x256xf32>
      %dot_general3A_588 = tpu.matmul %add3A_583, %get3A_586, %dot_general3A_587 {dimension_numbers = #tpu.dot_dimension_numbers<[1], [0], [0], [1], [0, 0, 1, 1], [], []>, transpose_lhs_hint = false} : vector<16x280xf32>, vector<280x256xf32>, vector<16x256xf32> -> vector<16x256xf32>
      %get3A_589 = arith.constant 0 : index
      %get3A_590 = arith.constant 0 : index
      %get3A_591 = vector.load %arg24[%get3A_589, %get3A_590] : memref<1x256xf32, #tpu.memory_space<vmem>>, vector<1x256xf32>
      %add3A_592 = vector.broadcast %get3A_591 : vector<1x256xf32> to vector<16x256xf32>
      %add3A_593 = arith.addf %dot_general3A_588, %add3A_592 : vector<16x256xf32>
      %get3A_594 = arith.constant 0 : index
      %get3A_595 = arith.constant 0 : index
      %get3A_596 = vector.load %arg10[%get3A_594, %get3A_595] : memref<16x1xf32, #tpu.memory_space<vmem>>, vector<16x1xf32>
      %iota3A = tpu.iota {dimensions = array<i32: 0>} : vector<16x16xi32>
      %iota3A_597 = tpu.iota {dimensions = array<i32: 1>} : vector<16x16xi32>
      %eq3A_598 = arith.cmpi eq, %iota3A, %iota3A_597 : vector<16x16xi32>
      %jit3A_599 = arith.constant 0.000000e+00 : f32
      %broadcast_in_dim3A_600 = vector.shape_cast %get3A_596 : vector<16x1xf32> to vector<16x1xf32>
      %broadcast_in_dim3A_601 = vector.broadcast %broadcast_in_dim3A_600 : vector<16x1xf32> to vector<16x16xf32>
      %broadcast_in_dim3A_602 = vector.broadcast %jit3A_599 : f32 to vector<16x16xf32>
      %select_n3A_603 = arith.select %eq3A_598, %broadcast_in_dim3A_601, %broadcast_in_dim3A_602 : vector<16x16xi1>, vector<16x16xf32>
      %get3A_604 = arith.constant 0 : index
      %get3A_605 = arith.constant 0 : index
      %get3A_606 = vector.load %arg35[%get3A_604, %get3A_605] : memref<16x16xf32, #tpu.memory_space<vmem>>, vector<16x16xf32>
      %add3A_607 = arith.addf %select_n3A_603, %get3A_606 : vector<16x16xf32>
      %get3A_608 = arith.constant 0 : index
      %get3A_609 = arith.constant 0 : index
      %get3A_610 = vector.load %arg9[%get3A_608, %get3A_609] : memref<16x256xf32, #tpu.memory_space<vmem>>, vector<16x256xf32>
      %get3A_611 = arith.constant 0 : index
      %get3A_612 = arith.constant 0 : index
      %get3A_613 = vector.load %arg34[%get3A_611, %get3A_612] : memref<16x256xf32, #tpu.memory_space<vmem>>, vector<16x256xf32>
      %add3A_614 = arith.addf %get3A_610, %get3A_613 : vector<16x256xf32>
      %get3A_615 = arith.constant 0 : index
      %get3A_616 = arith.constant 0 : index
      %get3A_617 = vector.load %arg22[%get3A_615, %get3A_616] : memref<256x256xf32, #tpu.memory_space<vmem>>, vector<256x256xf32>
      %dot_general3A_618 = arith.constant dense<0.000000e+00> : vector<16x256xf32>
      %dot_general3A_619 = tpu.matmul %add3A_614, %get3A_617, %dot_general3A_618 {dimension_numbers = #tpu.dot_dimension_numbers<[1], [0], [0], [1], [0, 0, 1, 1], [], []>, transpose_lhs_hint = false} : vector<16x256xf32>, vector<256x256xf32>, vector<16x256xf32> -> vector<16x256xf32>
      %dot_general3A_620 = arith.constant dense<0.000000e+00> : vector<16x256xf32>
      %dot_general3A_621 = tpu.matmul %add3A_607, %add3A_593, %dot_general3A_620 {dimension_numbers = #tpu.dot_dimension_numbers<[1], [0], [0], [1], [0, 0, 1, 1], [], []>, transpose_lhs_hint = false} : vector<16x16xf32>, vector<16x256xf32>, vector<16x256xf32> -> vector<16x256xf32>
      %add3A_622 = arith.addf %dot_general3A_619, %dot_general3A_621 : vector<16x256xf32>
      %get3A_623 = arith.constant 0 : index
      %get3A_624 = arith.constant 0 : index
      %get3A_625 = vector.load %arg25[%get3A_623, %get3A_624] : memref<256x256xf32, #tpu.memory_space<vmem>>, vector<256x256xf32>
      %dot_general3A_626 = arith.constant dense<0.000000e+00> : vector<16x256xf32>
      %dot_general3A_627 = tpu.matmul %add3A_622, %get3A_625, %dot_general3A_626 {dimension_numbers = #tpu.dot_dimension_numbers<[1], [0], [0], [1], [0, 0, 1, 1], [], []>, transpose_lhs_hint = false} : vector<16x256xf32>, vector<256x256xf32>, vector<16x256xf32> -> vector<16x256xf32>
      %get3A_628 = arith.constant 0 : index
      %get3A_629 = arith.constant 0 : index
      %get3A_630 = vector.load %arg10[%get3A_628, %get3A_629] : memref<16x1xf32, #tpu.memory_space<vmem>>, vector<16x1xf32>
      %get3A_631 = arith.constant 0 : index
      %get3A_632 = arith.constant 0 : index
      %get3A_633 = vector.load %arg26[%get3A_631, %get3A_632] : memref<1x256xf32, #tpu.memory_space<vmem>>, vector<1x256xf32>
      %mul3A_634 = vector.broadcast %get3A_630 : vector<16x1xf32> to vector<16x256xf32>
      %mul3A_635 = vector.broadcast %get3A_633 : vector<1x256xf32> to vector<16x256xf32>
      %mul3A_636 = arith.mulf %mul3A_634, %mul3A_635 : vector<16x256xf32>
      %add3A_637 = arith.addf %dot_general3A_627, %mul3A_636 : vector<16x256xf32>
      %get3A_638 = arith.constant 0 : index
      %get3A_639 = arith.constant 0 : index
      %get3A_640 = vector.load %arg27[%get3A_638, %get3A_639] : memref<256x256xf32, #tpu.memory_space<vmem>>, vector<256x256xf32>
      %dot_general3A_641 = arith.constant dense<0.000000e+00> : vector<16x256xf32>
      %dot_general3A_642 = tpu.matmul %add3A_637, %get3A_640, %dot_general3A_641 {dimension_numbers = #tpu.dot_dimension_numbers<[1], [0], [0], [1], [0, 0, 1, 1], [], []>, transpose_lhs_hint = false} : vector<16x256xf32>, vector<256x256xf32>, vector<16x256xf32> -> vector<16x256xf32>
      %get3A_643 = arith.constant 0 : index
      %get3A_644 = arith.constant 0 : index
      %get3A_645 = vector.load %arg28[%get3A_643, %get3A_644] : memref<1x256xf32, #tpu.memory_space<vmem>>, vector<1x256xf32>
      %add3A_646 = vector.broadcast %get3A_645 : vector<1x256xf32> to vector<16x256xf32>
      %add3A_647 = arith.addf %dot_general3A_642, %add3A_646 : vector<16x256xf32>
      %get3A_648 = arith.constant 0 : index
      %get3A_649 = arith.constant 0 : index
      %get3A_650 = vector.load %arg29[%get3A_648, %get3A_649] : memref<1x256xf32, #tpu.memory_space<vmem>>, vector<1x256xf32>
      %get3A_651 = arith.constant 0 : index
      %get3A_652 = arith.constant 0 : index
      %get3A_653 = vector.load %arg30[%get3A_651, %get3A_652] : memref<1x256xf32, #tpu.memory_space<vmem>>, vector<1x256xf32>
      %reduce_sum3A_654 = arith.constant dense<0.000000e+00> : vector<16xf32>
      %reduce_sum3A_655 = vector.multi_reduction <add>, %add3A_647, %reduce_sum3A_654 [1] : vector<16x256xf32> to vector<16xf32>
      %broadcast_in_dim3A_656 = vector.shape_cast %reduce_sum3A_655 : vector<16xf32> to vector<16x1xf32>
      %div3A_657 = arith.constant 2.560000e+02 : f32
      %div3A_658 = vector.broadcast %div3A_657 : f32 to vector<16x1xf32>
      %div3A_659 = arith.divf %broadcast_in_dim3A_656, %div3A_658 : vector<16x1xf32>
      %jit3A_660 = arith.constant 0 : i32
      %reduce_sum3A_661 = arith.constant dense<0.000000e+00> : vector<16xf32>
      %reduce_sum3A_662 = vector.multi_reduction <add>, %add3A_647, %reduce_sum3A_661 [1] : vector<16x256xf32> to vector<16xf32>
      %broadcast_in_dim3A_663 = vector.shape_cast %reduce_sum3A_662 : vector<16xf32> to vector<16x1xf32>
      %div3A_664 = arith.constant 2.560000e+02 : f32
      %div3A_665 = vector.broadcast %div3A_664 : f32 to vector<16x1xf32>
      %div3A_666 = arith.divf %broadcast_in_dim3A_663, %div3A_665 : vector<16x1xf32>
      %sub3A_667 = vector.broadcast %div3A_666 : vector<16x1xf32> to vector<16x256xf32>
      %sub3A_668 = arith.subf %add3A_647, %sub3A_667 : vector<16x256xf32>
      %square3A_669 = arith.mulf %sub3A_668, %sub3A_668 : vector<16x256xf32>
      %convert_element_type3A_670 = arith.sitofp %jit3A_660 : i32 to f32
      %sub3A_671 = arith.constant 2.560000e+02 : f32
      %sub3A_672 = arith.subf %sub3A_671, %convert_element_type3A_670 : f32
      %reduce_sum3A_673 = arith.constant dense<0.000000e+00> : vector<16xf32>
      %reduce_sum3A_674 = vector.multi_reduction <add>, %square3A_669, %reduce_sum3A_673 [1] : vector<16x256xf32> to vector<16xf32>
      %broadcast_in_dim3A_675 = vector.shape_cast %reduce_sum3A_674 : vector<16xf32> to vector<16x1xf32>
      %div3A_676 = vector.broadcast %sub3A_672 : f32 to vector<16x1xf32>
      %div3A_677 = arith.divf %broadcast_in_dim3A_675, %div3A_676 : vector<16x1xf32>
      %gt3A_678 = arith.constant 0.000000e+00 : f32
      %gt3A_679 = arith.cmpf ogt, %sub3A_672, %gt3A_678 : f32
      %jit3A_680 = arith.constant 0x7FC00000 : f32
      %broadcast_in_dim3A_681 = vector.broadcast %jit3A_680 : f32 to vector<16x1xf32>
      %select_n3A_682 = arith.select %gt3A_679, %div3A_677, %broadcast_in_dim3A_681 : vector<16x1xf32>
      %sub3A_683 = vector.broadcast %div3A_659 : vector<16x1xf32> to vector<16x256xf32>
      %sub3A_684 = arith.subf %add3A_647, %sub3A_683 : vector<16x256xf32>
      %add3A_685 = arith.constant 9.99999974E-6 : f32
      %add3A_686 = vector.broadcast %add3A_685 : f32 to vector<16x1xf32>
      %add3A_687 = arith.addf %select_n3A_682, %add3A_686 : vector<16x1xf32>
      %sqrt3A_688 = math.sqrt %add3A_687 : vector<16x1xf32>
      %div3A_689 = vector.broadcast %sqrt3A_688 : vector<16x1xf32> to vector<16x256xf32>
      %div3A_690 = arith.divf %sub3A_684, %div3A_689 : vector<16x256xf32>
      %mul3A_691 = vector.broadcast %get3A_650 : vector<1x256xf32> to vector<16x256xf32>
      %mul3A_692 = arith.mulf %div3A_690, %mul3A_691 : vector<16x256xf32>
      %add3A_693 = vector.broadcast %get3A_653 : vector<1x256xf32> to vector<16x256xf32>
      %add3A_694 = arith.addf %mul3A_692, %add3A_693 : vector<16x256xf32>
      %max3A_695 = arith.constant 0.000000e+00 : f32
      %max3A_696 = vector.broadcast %max3A_695 : f32 to vector<16x256xf32>
      %max3A_697 = arith.maximumf %add3A_694, %max3A_696 : vector<16x256xf32>
      %get3A_698 = arith.constant 0 : index
      %get3A_699 = arith.constant 0 : index
      %get3A_700 = vector.load %arg31[%get3A_698, %get3A_699] : memref<256x128xf32, #tpu.memory_space<vmem>>, vector<256x128xf32>
      %dot_general3A_701 = arith.constant dense<0.000000e+00> : vector<16x128xf32>
      %dot_general3A_702 = tpu.matmul %max3A_697, %get3A_700, %dot_general3A_701 {dimension_numbers = #tpu.dot_dimension_numbers<[1], [0], [0], [1], [0, 0, 1, 1], [], []>, transpose_lhs_hint = false} : vector<16x256xf32>, vector<256x128xf32>, vector<16x128xf32> -> vector<16x128xf32>
      %get3A_703 = arith.constant 0 : index
      %get3A_704 = arith.constant 0 : index
      %get3A_705 = vector.load %arg32[%get3A_703, %get3A_704] : memref<1x128xf32, #tpu.memory_space<vmem>>, vector<1x128xf32>
      %add3A_706 = vector.broadcast %get3A_705 : vector<1x128xf32> to vector<16x128xf32>
      %add3A_707 = arith.addf %dot_general3A_702, %add3A_706 : vector<16x128xf32>
      %swap3A = arith.constant 0 : index
      %swap3A_708 = arith.constant 0 : index
      %swap3A_709 = vector.load %arg33[%swap3A, %swap3A_708] : memref<16x128xf32, #tpu.memory_space<vmem>>, vector<16x128xf32>
      tpu.vector_store %arg33[%swap3A, %swap3A_708], %add3A_707 {strides = array<i32>} : memref<16x128xf32, #tpu.memory_space<vmem>>, vector<16x128xf32>,
    } else {
    }
    return
  }
  func.func @transform_0(%arg0: i32) -> (i32, i32) {
    %min3A = arith.constant 4 : i32
    %min3A_0 = arith.minsi %arg0, %min3A : i32
    %c0_i32 = arith.constant 0 : i32
    %c0_i32_1 = arith.constant 0 : i32
    return %min3A_0, %c0_i32 : i32, i32
  }
  func.func @transform_1(%arg0: i32) -> (i32, i32) {
    %min3A = arith.constant 4 : i32
    %min3A_0 = arith.minsi %arg0, %min3A : i32
    %c0_i32 = arith.constant 0 : i32
    %c0_i32_1 = arith.constant 0 : i32
    return %min3A_0, %c0_i32 : i32, i32
  }
  func.func @transform_2(%arg0: i32) -> (i32, i32) {
    %min3A = arith.constant 4 : i32
    %min3A_0 = arith.minsi %arg0, %min3A : i32
    %c0_i32 = arith.constant 0 : i32
    %c0_i32_1 = arith.constant 0 : i32
    return %min3A_0, %c0_i32 : i32, i32
  }
  func.func @transform_3(%arg0: i32) -> (i32, i32) {
    %min3A = arith.constant 4 : i32
    %min3A_0 = arith.minsi %arg0, %min3A : i32
    %c0_i32 = arith.constant 0 : i32
    %c0_i32_1 = arith.constant 0 : i32
    return %min3A_0, %c0_i32 : i32, i32
  }
  func.func @transform_4(%arg0: i32) -> (i32, i32) {
    %c0_i32 = arith.constant 0 : i32
    %c0_i32_0 = arith.constant 0 : i32
    %c0_i32_1 = arith.constant 0 : i32
    return %c0_i32, %c0_i32_0 : i32, i32
  }
  func.func @transform_5(%arg0: i32) -> (i32, i32) {
    %c0_i32 = arith.constant 0 : i32
    %c0_i32_0 = arith.constant 0 : i32
    %c0_i32_1 = arith.constant 0 : i32
    return %c0_i32, %c0_i32_0 : i32, i32
  }
  func.func @transform_6(%arg0: i32) -> (i32, i32) {
    %c0_i32 = arith.constant 0 : i32
    %c0_i32_0 = arith.constant 0 : i32
    %c0_i32_1 = arith.constant 0 : i32
    return %c0_i32, %c0_i32_0 : i32, i32
  }
  func.func @transform_7(%arg0: i32) -> (i32, i32) {
    %c0_i32 = arith.constant 0 : i32
    %c0_i32_0 = arith.constant 0 : i32
    %c0_i32_1 = arith.constant 0 : i32
    return %c0_i32, %c0_i32_0 : i32, i32
  }
  func.func @transform_8(%arg0: i32) -> (i32, i32) {
    %c0_i32 = arith.constant 0 : i32
    %c0_i32_0 = arith.constant 0 : i32
    %c0_i32_1 = arith.constant 0 : i32
    return %c0_i32, %c0_i32_0 : i32, i32
  }
  func.func @transform_9(%arg0: i32) -> (i32, i32) {
    %c0_i32 = arith.constant 0 : i32
    %c0_i32_0 = arith.constant 0 : i32
    %c0_i32_1 = arith.constant 0 : i32
    return %c0_i32, %c0_i32_0 : i32, i32
  }
  func.func @transform_10(%arg0: i32) -> (i32, i32) {
    %c0_i32 = arith.constant 0 : i32
    %c0_i32_0 = arith.constant 0 : i32
    %c0_i32_1 = arith.constant 0 : i32
    return %c0_i32, %c0_i32_0 : i32, i32
  }
  func.func @transform_11(%arg0: i32) -> (i32, i32) {
    %c0_i32 = arith.constant 0 : i32
    %c0_i32_0 = arith.constant 0 : i32
    %c0_i32_1 = arith.constant 0 : i32
    return %c0_i32, %c0_i32_0 : i32, i32
  }
  func.func @transform_12(%arg0: i32) -> (i32, i32) {
    %c0_i32 = arith.constant 0 : i32
    %c0_i32_0 = arith.constant 0 : i32
    %c0_i32_1 = arith.constant 0 : i32
    return %c0_i32, %c0_i32_0 : i32, i32
  }
  func.func @transform_13(%arg0: i32) -> (i32, i32) {
    %c0_i32 = arith.constant 0 : i32
    %c0_i32_0 = arith.constant 0 : i32
    %c0_i32_1 = arith.constant 0 : i32
    return %c0_i32, %c0_i32_0 : i32, i32
  }
  func.func @transform_14(%arg0: i32) -> (i32, i32) {
    %c0_i32 = arith.constant 0 : i32
    %c0_i32_0 = arith.constant 0 : i32
    %c0_i32_1 = arith.constant 0 : i32
    return %c0_i32, %c0_i32_0 : i32, i32
  }
  func.func @transform_15(%arg0: i32) -> (i32, i32) {
    %c0_i32 = arith.constant 0 : i32
    %c0_i32_0 = arith.constant 0 : i32
    %c0_i32_1 = arith.constant 0 : i32
    return %c0_i32, %c0_i32_0 : i32, i32
  }
  func.func @transform_16(%arg0: i32) -> (i32, i32) {
    %c0_i32 = arith.constant 0 : i32
    %c0_i32_0 = arith.constant 0 : i32
    %c0_i32_1 = arith.constant 0 : i32
    return %c0_i32, %c0_i32_0 : i32, i32
  }
  func.func @transform_17(%arg0: i32) -> (i32, i32) {
    %c0_i32 = arith.constant 0 : i32
    %c0_i32_0 = arith.constant 0 : i32
    %c0_i32_1 = arith.constant 0 : i32
    return %c0_i32, %c0_i32_0 : i32, i32
  }
  func.func @transform_18(%arg0: i32) -> (i32, i32) {
    %c0_i32 = arith.constant 0 : i32
    %c0_i32_0 = arith.constant 0 : i32
    %c0_i32_1 = arith.constant 0 : i32
    return %c0_i32, %c0_i32_0 : i32, i32
  }
  func.func @transform_19(%arg0: i32) -> (i32, i32) {
    %c0_i32 = arith.constant 0 : i32
    %c0_i32_0 = arith.constant 0 : i32
    %c0_i32_1 = arith.constant 0 : i32
    return %c0_i32, %c0_i32_0 : i32, i32
  }
  func.func @transform_20(%arg0: i32) -> (i32, i32) {
    %c0_i32 = arith.constant 0 : i32
    %c0_i32_0 = arith.constant 0 : i32
    %c0_i32_1 = arith.constant 0 : i32
    return %c0_i32, %c0_i32_0 : i32, i32
  }
  func.func @transform_21(%arg0: i32) -> (i32, i32) {
    %c0_i32 = arith.constant 0 : i32
    %c0_i32_0 = arith.constant 0 : i32
    %c0_i32_1 = arith.constant 0 : i32
    return %c0_i32, %c0_i32_0 : i32, i32
  }
  func.func @transform_22(%arg0: i32) -> (i32, i32) {
    %c0_i32 = arith.constant 0 : i32
    %c0_i32_0 = arith.constant 0 : i32
    %c0_i32_1 = arith.constant 0 : i32
    return %c0_i32, %c0_i32_0 : i32, i32
  }
  func.func @transform_23(%arg0: i32) -> (i32, i32) {
    %c0_i32 = arith.constant 0 : i32
    %c0_i32_0 = arith.constant 0 : i32
    %c0_i32_1 = arith.constant 0 : i32
    return %c0_i32, %c0_i32_0 : i32, i32
  }
  func.func @transform_24(%arg0: i32) -> (i32, i32) {
    %c0_i32 = arith.constant 0 : i32
    %c0_i32_0 = arith.constant 0 : i32
    %c0_i32_1 = arith.constant 0 : i32
    return %c0_i32, %c0_i32_0 : i32, i32
  }
  func.func @transform_25(%arg0: i32) -> (i32, i32) {
    %c0_i32 = arith.constant 0 : i32
    %c0_i32_0 = arith.constant 0 : i32
    %c0_i32_1 = arith.constant 0 : i32
    return %c0_i32, %c0_i32_0 : i32, i32
  }
  func.func @transform_26(%arg0: i32) -> (i32, i32) {
    %c0_i32 = arith.constant 0 : i32
    %c0_i32_0 = arith.constant 0 : i32
    %c0_i32_1 = arith.constant 0 : i32
    return %c0_i32, %c0_i32_0 : i32, i32
  }
  func.func @transform_27(%arg0: i32) -> (i32, i32) {
    %c0_i32 = arith.constant 0 : i32
    %c0_i32_0 = arith.constant 0 : i32
    %c0_i32_1 = arith.constant 0 : i32
    return %c0_i32, %c0_i32_0 : i32, i32
  }
  func.func @transform_28(%arg0: i32) -> (i32, i32) {
    %c0_i32 = arith.constant 0 : i32
    %c0_i32_0 = arith.constant 0 : i32
    %c0_i32_1 = arith.constant 0 : i32
    return %c0_i32, %c0_i32_0 : i32, i32
  }
  func.func @transform_29(%arg0: i32) -> (i32, i32) {
    %c0_i32 = arith.constant 0 : i32
    %c0_i32_0 = arith.constant 0 : i32
    %c0_i32_1 = arith.constant 0 : i32
    return %c0_i32, %c0_i32_0 : i32, i32
  }
  func.func @transform_30(%arg0: i32) -> (i32, i32) {
    %c0_i32 = arith.constant 0 : i32
    %c0_i32_0 = arith.constant 0 : i32
    %c0_i32_1 = arith.constant 0 : i32
    return %c0_i32, %c0_i32_0 : i32, i32
  }
  func.func @transform_31(%arg0: i32) -> (i32, i32) {
    %c0_i32 = arith.constant 0 : i32
    %c0_i32_0 = arith.constant 0 : i32
    %c0_i32_1 = arith.constant 0 : i32
    return %c0_i32, %c0_i32_0 : i32, i32
  }
  func.func @transform_32(%arg0: i32) -> (i32, i32) {
    %c0_i32 = arith.constant 0 : i32
    %c0_i32_0 = arith.constant 0 : i32
    %c0_i32_1 = arith.constant 0 : i32
    return %c0_i32, %c0_i32_0 : i32, i32
  }
}

</mosaic_0001>

<sc_bundles>
// kernel: kernel.5.cloned.1.call-start
scs
__scs_entry_jumppad:
0x0: {  	(pc) =	sbr.rel $0x88, $3  }
0x1: {  	(tag) =	ssettag $0x0;
	lr =	simm.s32 $0x1  }
0x2: {  	[smem:$0x3F80] =	sst lr;
	_ =	strace $0xD0000000  }
0x3: {  	_ = 	snop  }
0x4: {  	_ = 	snop  }
0x5: {  	_ = 	snop  }
0x6: {  	_ = 	snop  }
0x7: {  	_ = 	snop  }
__scs_overlays_trampoline_lowered:
0x8: {  	[smem:$0x3F8F] =	sst s0  }
0x9: {  	[smem:$0x3F90] =	sst s1  }
0xa: {  	[smem:$0x3F91] =	sst s2  }
0xb: {  	[smem:$0x3F92] =	sst s3  }
0xc: {  	[smem:$0x3F93] =	sst s4  }
0xd: {  	[smem:$0x3F94] =	sst s5  }
0xe: {  	[smem:$0x3F95] =	sst s6  }
0xf: {  	[smem:$0x3F96] =	sst s7  }
0x10: {  	[smem:$0x3F97] =	sst s8  }
0x11: {  	[smem:$0x3F98] =	sst s9;
	s0 =	simm.s32 @!p0 $0x0  }
0x12: {  	s1 =	sld [smem:$0x3F7E];
	s0 =	simm.s32 @p0 $0x1  }
0x13: {  	[smem:$0x3F99] =	sst s0;
	s0 =	simm.s32 @!p1 $0x0  }
0x14: {  	s2 =	sld [smem:$0x3F7D];
	s0 =	simm.s32 @p1 $0x1  }
0x15: {  	[smem:$0x3F9A] =	sst s0;
	s0 =	simm.s32 @!p2 $0x0  }
0x16: {  	s3 =	sld [smem:$0x3FDB];
	s0 =	simm.s32 @p2 $0x1  }
0x17: {  	s4 =	simm.s32 $0x1BF5;
	[smem:$0x3F9C] =	sst s0  }
0x18: {  	s0 =	sld [smem:$0x3F7F];
	_ =	swait.ge [sflag:s4], $0x0  }
0x19: {  	s7 =	sld [smem:$0x3F80]  }
0x1a: {  	s8 =	sadd.s32 $0xFFFFE003, lr  }
0x1b: {  	s9 =	sadd.s32 $0xFFFFFEF7, lr;
	s5 =	simm.s32 $0xFFFFFFFF;
	p2 =	slt.u32 s8, $0xFFFFF086  }
0x1c: {  	p1 =	slt.u32 s9, $0xF7A;
	s5 =	simm.s32 @!p2 $0x0  }
0x1d: {  	s5 =	simm.s32 @p1 $0x1;
	p0 =	seq.s32 s7, s2  }
0x1e: {  	s7 =	smul.u32 @!p0 $0xF7A, s2;
	p2 =	seq.s32 @!p0 s5, $0x0  }
0x1f: {  	s9 =	smul.u32 $0xF7A, s1;
	s8 =	simm.s32 @!p0 $0x1BF5;
	p2 =	por !p2, p0  }
0x20: {  	[sflag:s8] =	ssyncset.s32 @!p0 $0xFFFFF086;
	s6 =	sadd.s32 @!p0 s3, s7;
	s7 =	simm.s32 @!p0 $0x108  }
0x21: {  	s3 =	sadd.s32 s3, s9;
	s6 =	sadd.s32 @!p0 $0x88, s6;
	s7 =	simm.s32 @p2 $0x1082  }
0x22: {  	[simem:s7], [sflag:s8] =	dma.local @!p0 [hbm:s6], $0xF7A  }
0x23: {  	s9 =	sor.u32 $0xD0000000, s2;
	s6 =	simm.s32 $0x108;
	_ =	swait.ge @!p0 [sflag:s8], $0x0  }
0x24: {  	s3 =	sadd.s32 $0x88, s3;
	s6 =	simm.s32 @!p1 $0x1082;
	[sflag:s4] =	ssyncset.s32 $0xFFFFF086  }
0x25: {  	[simem:s6], [sflag:s4] =	dma.local [hbm:s3], $0xF7A  }
0x26: {  	[smem:$0x3F80] =	sst s1;
	(tag) =	ssettag s2;
	_ =	strace s9  }
0x27: {  	s1 =	sld [smem:$0x3F90]  }
0x28: {  	s2 =	sld [smem:$0x3F91]  }
0x29: {  	s4 =	sld [smem:$0x3F93]  }
0x2a: {  	p0 =	seq.s32 s5, $0x0;
	s5 =	sld [smem:$0x3F94]  }
0x2b: {  	s6 =	sld [smem:$0x3F95]  }
0x2c: {  	s7 =	sld [smem:$0x3F96]  }
0x2d: {  	s3 =	simm.s32 $0x108;
	s8 =	sld [smem:$0x3F97]  }
0x2e: {  	s3 =	simm.s32 @!p0 $0x1082;
	s9 =	sld [smem:$0x3F98]  }
0x2f: {  	lr =	sadd.s32 s0, s3;
	s0 =	sld [smem:$0x3F8F]  }
0x30: {  	s3 =	sld [smem:$0x3F92]  }
0x31: {  	[smem:$0x3F9B] =	sst s10  }
0x32: {  	s10 =	sld [smem:$0x3F99];
	_ =	sdelay $0x3  }
0x33: {  	p0 =	seq.s32 s10, $0x1;
	s10 =	sld [smem:$0x3F9B];
	_ =	sdelay $0x3  }
0x34: {  	[smem:$0x3F9B] =	sst s10  }
0x35: {  	s10 =	sld [smem:$0x3F9A];
	_ =	sdelay $0x3  }
0x36: {  	p1 =	seq.s32 s10, $0x1;
	s10 =	sld [smem:$0x3F9B];
	_ =	sdelay $0x3  }
0x37: {  	[smem:$0x3F9B] =	sst s10  }
0x38: {  	s10 =	sld [smem:$0x3F9C]  }
0x39: {  	_ = 	snop;
	(pc) =	sbr.ind lr, $3  }
0x3a: {  	_ = 	snop  }
0x3b: {  	_ = 	snop  }
0x3c: {  	p2 =	seq.s32 s10, $0x1;
	s10 =	sld [smem:$0x3F9B]  }
0x3d: {  	_ =	shalt  }
0x3e: {  	_ =	shalt  }
0x3f: {  	_ =	shalt  }
0x40: {  	_ =	shalt  }
0x41: {  	_ =	shalt  }
0x42: {  	_ =	shalt  }
0x43: {  	_ =	shalt  }
0x44: {  	_ =	shalt  }
0x45: {  	_ =	shalt  }
0x46: {  	_ =	shalt  }
0x47: {  	_ =	shalt  }
0x48: {  	_ =	shalt  }
0x49: {  	_ =	shalt  }
0x4a: {  	_ =	shalt  }
0x4b: {  	_ =	shalt  }
0x4c: {  	_ =	shalt  }
0x4d: {  	_ =	shalt  }
0x4e: {  	_ =	shalt  }
0x4f: {  	_ =	shalt  }
0x50: {  	_ =	shalt  }
0x51: {  	_ =	shalt  }
0x52: {  	_ =	shalt  }
0x53: {  	_ =	shalt  }
0x54: {  	_ =	shalt  }
0x55: {  	_ =	shalt  }
0x56: {  	_ =	shalt  }
0x57: {  	_ =	shalt  }
0x58: {  	_ =	shalt  }
0x59: {  	_ =	shalt  }
0x5a: {  	_ =	shalt  }
0x5b: {  	_ =	shalt  }
0x5c: {  	_ =	shalt  }
0x5d: {  	_ =	shalt  }
0x5e: {  	_ =	shalt  }
0x5f: {  	_ =	shalt  }
0x60: {  	_ =	shalt  }
0x61: {  	_ =	shalt  }
0x62: {  	_ =	shalt  }
0x63: {  	_ =	shalt  }
0x64: {  	_ =	shalt  }
0x65: {  	_ =	shalt  }
0x66: {  	_ =	shalt  }
0x67: {  	_ =	shalt  }
0x68: {  	_ =	shalt  }
0x69: {  	_ =	shalt  }
0x6a: {  	_ =	shalt  }
0x6b: {  	_ =	shalt  }
0x6c: {  	_ =	shalt  }
0x6d: {  	_ =	shalt  }
0x6e: {  	_ =	shalt  }
0x6f: {  	_ =	shalt  }
0x70: {  	_ =	shalt  }
0x71: {  	_ =	shalt  }
0x72: {  	_ =	shalt  }
0x73: {  	_ =	shalt  }
0x74: {  	_ =	shalt  }
0x75: {  	_ =	shalt  }
0x76: {  	_ =	shalt  }
0x77: {  	_ =	shalt  }
0x78: {  	_ =	shalt  }
0x79: {  	_ =	shalt  }
0x7a: {  	_ =	shalt  }
0x7b: {  	_ =	shalt  }
0x7c: {  	_ =	shalt  }
0x7d: {  	_ =	shalt  }
0x7e: {  	_ =	shalt  }
0x7f: {  	_ =	shalt  }
0x80: {  	_ =	shalt  }
0x81: {  	_ =	shalt  }
0x82: {  	_ =	shalt  }
0x83: {  	_ =	shalt  }
0x84: {  	_ =	shalt  }
0x85: {  	_ =	shalt  }
0x86: {  	_ =	shalt  }
0x87: {  	_ =	shalt  }
.Lfunc_end0:
.L_simem_size_0:
called_computation_lowered:
.L_overlay_start_0:
0x88: {  	s2 =	sld [smem:$0x3FD9]  }
0x89: {  	s3 =	sld [smem:$0x3FFE];
	_ =	sdelay $0x1  }
0x8a: {  	s1 =	srdreg.scid  }
0x8b: {  	s0 =	sand.u32 $0x1, s1  }
0x8c: {  	s17 =	sshll.u32 s0, $0xA;
	s2 =	sadd.s32 s3, s2  }
0x8d: {  	s2 =	sadd.s32 s2, s17  }
0x8e: {  	[smem:$0x3FA7] =	sst s2  }
0x8f: {  	_ = 	snop  }
0x90: {  	s2 =	sld [smem:$0x3FC7];
	(tm) =	ssettm $0x1  }
0x91: {  	s18 =	sld [smem:$0x3FFB];
	_ =	sdelay $0x3  }
0x92: {  	_ =	strace s18  }
0x93: {  	s3 =	sld [smem:$0x3FFC];
	_ =	sdelay $0x3  }
0x94: {  	_ =	strace s3  }
0x95: {  	s3 =	sld [smem:$0x3FFD];
	_ =	sdelay $0x3  }
0x96: {  	_ =	strace s3  }
0x97: {  	_ =	strace $0x8FFFFFFF  }
0x98: {  	s19 =	sld [smem:$0x3FDB];
	_ =	sdelay $0x1  }
0x99: {  	s4 =	simm.s32 $_scs_section_size  }
0x9a: {  	s5 =	simm.s32 $_size__tile_overlayer_lowered;
	s6 =	simm.s32 $_tile_overlayer_lowered  }
0x9b: {  	s22 =	simm.s32 $0x1BFF;
	s21 =	sshll.u32 s6, $0x1;
	s3 =	sadd.s32 s4, s19  }
0x9c: {  	s7 =	simm.s32 $0x0;
	s20 =	sshll.u32 s5, $0x1;
	s5 =	sadd.s32 s21, s3  }
0x9d: {  	[timem:s7], [sflag:s22] =	dma.local [hbm:s5], s20  }
0x9e: {  	_ =	swait.ge [sflag:s22], s20  }
0x9f: {  	s4 =	ssub.s32 $0x0, s20;
	[sflag:s22] =	ssyncset.done $0x0  }
0xa0: {  	[sflag:s22] =	ssyncadd.s32 s4;
	_ =	sdelay $0x1  }
0xa1: {  	s23 =	simm.s32 $0x1B8B  }
0xa2: {  	_ =	swait.ge [sflag:s23], $0x1  }
0xa3: {  	[sflag:s23] =	ssyncset.done $0x0  }
0xa4: {  	s25 =	simm.s32 $0x1B8E;
	s24 =	sld [smem:$0x3FFE];
	[sflag:s23] =	ssyncadd.s32 $0xFFFFFFFF  }
0xa5: {  	s26 =	simm.s32 $execute0_lowered;
	[smem:$0x3FD2] =	sst s25  }
0xa6: {  	s5 =	sshll.u32 s26, $0x1;
	_ =	strace $0x80000046;
	[dreg:$0x1] =	wrdreg $0xFFFFFFFF  }
0xa7: {  	s28 =	simm.s32 $_size_execute0_lowered;
	s3 =	sadd.s32 s3, s5;
	[dreg:$0x0] =	wrdreg $0x0  }
0xa8: {  	s5 =	sshll.u32 s28, $0x1;
	[dreg:$0x2] =	wrdreg s3  }
0xa9: {  	[dreg:$0x3] =	wrdreg s5  }
0xaa: {  	[dreg:$0x4] =	wrdreg $0xC0  }
0xab: {  	_ =	task [dreg:s7], $0x5FFFF  }
0xac: {  	[dreg:$0x1] =	wrdreg $0xFFFFFFFF  }
0xad: {  	[dreg:$0x0] =	wrdreg $0x60  }
0xae: {  	[dreg:$0x2] =	wrdreg s24  }
0xaf: {  	[dreg:$0x3] =	wrdreg s2  }
0xb0: {  	[dreg:$0x4] =	wrdreg $0x18F100  }
0xb1: {  	[dreg:$0x5] =	wrdreg $0x9  }
0xb2: {  	_ =	task.clear_ibuf [dreg:s7], $0x6FFFF;
	_ =	strace $0x90000046  }
0xb3: {  	s29 =	simm.s32 $0x9;
	_ =	strace $0x80000048  }
0xb4: {  	_ =	swait.ge [sflag:s29], $0x1  }
0xb5: {  	[sflag:s29] =	ssyncadd.s32 $0xFFFFFFFF  }
0xb6: {  	_ =	strace $0x90000048  }
0xb7: {  	_ =	sfence  }
0xb8: {  	s30 =	sld [smem:$0x0];
	_ =	sdelay $0x2  }
0xb9: {  	s31 =	sshll.u32 s1, $0xD;
	s1 =	sshrl.u32 s1, $0x2  }
0xba: {  	s3 =	sand.u32 $0x4000, s31;
	s1 =	sadd.s32 s1, s30  }
0xbb: {  	s0 =	sor.u32 s3, s0;
	s1 =	sshll.u32 s1, $0x11  }
0xbc: {  	s0 =	sor.u32 s1, s0  }
0xbd: {  	s0 =	sadd.s32 $0x8F2B, s0  }
0xbe: {  	[sflag:s0] =	ssyncadd.remote.s32 $0x1  }
0xbf: {  	_ =	sfence.sel $0xFFFF  }
0xc0: {  	[dreg:$0x0] =	wrdreg $0xFFFFFFFF;
	(pc) =	sbr.abs _section_cstart, $3  }
0xc1: {  	[dreg:$0x1] =	wrdreg $0xFFFFFFFF  }
0xc2: {  	_ =	task.clear_ibuf [dreg:s7], $0x2FFFF;
	_ =	strace $0x9FFFFFFF  }
0xc3: {  	(tm) =	ssettm $0x7FFFFFFF  }
tec
execute0_lowered:
.L_overlay_start_1:
0x0: {  	(tag) =	ssettag $0x1  }
0x1: {  	s5 =	rddreg [dreg:$0x0]  }
0x2: {  	s2 =	rddreg [dreg:$0x1]  }
0x3: {  	s3 =	rddreg [dreg:$0x2];
	s4 =	srdreg.scid  }
0x4: {  	s1 =	stileid.u32;
	s0 =	rddreg [dreg:$0x3];
	s11 =	simm.s32 $0x1400  }
0x5: {  	s12 =	simm.s32 $0x2800;
	s13 =	simm.s32 $0x4F10;
	s14 =	simm.s32 $0x80  }
0x6: {  	s15 =	simm.s32 $0x1;
	s16 =	simm.s32 $0x0;
	s6 =	sand.u32 $0x1, s4  }
0x7: {  	s7 =	smul.u32 $0x2780, s1;
	s4 =	simm.s32 $0x0;
	s8 =	sshll.u32 s6, $0x4  }
0x8: {  	s9 =	smul.u32 $0x27800, s6;
	s6 =	ssub.s32 $0x2, s6;
	s8 =	sor.u32 s1, s8  }
0x9: {  	[smem:$0x7FF] =	sst s4;
	s10 =	sshrl.u32 s6, $0x1;
	s8 =	smul.u32 $0x280, s8  }
0xa: {  	_ =	strace $0x80000047;
	s9 =	sadd.s32 s7, s9;
	s10 =	ssub.s32 s6, s10  }
0xb: {  	s7 =	sadd.s32 s7, s3;
	s9 =	sshrl.u32 s9, $0x3;
	s8 =	sadd.s32 s8, s5  }
0xc: {  	v1 =	vlaneseq.u32;
	s9 =	sadd.s32 s9, s5;
	s5 =	sadd.s32 $0x4800, s8;
	s6 =	sadd.s32 $0x9800, s8  }
0xd: {  	v0 =	vimm.f32 $0.0e+00;
	v2 =	vimm.f32 $1.000000000e+00;
	v1 =	vmul.u32 $0x10, v1;
	s8 =	sadd.s32 $0xE800, s9;
	s9 =	smax.u32 s10, $0x1;
	s10 =	simm.s32 $0x2  }
.LBB2_1:
0xe: {  	[tilespmem:s4], [sflag:$0x2] =	stream.linear.gather [hbm4b:s5+s4], $0x1400, $0x38;
	[tilespmem:$0x1B690] =	vst v63  }
0xf: {  	_ =	swait.ge [sflag:s10], $0x1400  }
0x10: {  	[sflag:s10] =	ssyncset.done $0x0  }
0x11: {  	[sflag:s10] =	ssyncadd.s32 $0xFFFFEC00  }
0x12: {  	[tilespmem:s11], [sflag:$0x2] =	stream.linear.gather [hbm4b:s6+s4], $0x1400, $0x38;
	[tilespmem:$0x1B690] =	vst v63  }
0x13: {  	_ =	swait.ge [sflag:s10], $0x1400  }
0x14: {  	[sflag:s10] =	ssyncset.done $0x0  }
0x15: {  	[sflag:s10] =	ssyncadd.s32 $0xFFFFEC00  }
0x16: {  	[tilespmem:s12], [sflag:$0x2] =	stream.linear.gather [hbm4b:s2+s4], $0x2710, $0x38;
	[tilespmem:$0x1B690] =	vst v63  }
0x17: {  	_ =	swait.ge [sflag:s10], $0x2710  }
0x18: {  	[sflag:s10] =	ssyncset.done $0x0  }
0x19: {  	s17 =	simm.s32 $0x40;
	s18 =	simm.s32 $0x0;
	[sflag:s10] =	ssyncadd.s32 $0xFFFFD8F0  }
.LBB2_2:
0x1a: {  	p0 =	sne.s32 s17, $0x4FFC0;
	[tilespmem:s18+$0x4F10] =	vst v0;
	s18 =	smov.u32 s17;
	s17 =	sadd.s32 $0x40, s17  }
.Ltmp0:
0x1b: {  	(pc) =	sbr.rel @p0 .LBB2_2-.Ltmp0, $2  }
0x1c: {  	_ =	sdelay $0x2  }
0x1d: {  	s18 =	sshra.s32 s18, $0x2  }
0x1e: {  	[tilespmem:s18+$0x4F10] =	vst v0  }
0x1f: {  	[spmem:s7] =	stream.linear.scatter [tilespmem:s13], [sflag:$0x2], $0x2780, $0x38;
	[tilespmem:$0x1B690] =	vst v63  }
0x20: {  	_ =	swait.ge [sflag:s10], $0x2780  }
0x21: {  	[sflag:s10] =	ssyncset.done $0x0  }
0x22: {  	s17 =	simm.s32 $0x0;
	[sflag:s10] =	ssyncadd.s32 $0xFFFFD880  }
0x23: {  	s18 =	simm.s32 $0x1400;
	s19 =	simm.s32 $0x0;
	[bflag:$0x0] =	sbarrier.arrive $0xFFFF  }
.LBB2_4:
0x24: {  	v3 =	vld [tilespmem:s18+$0x0];
	_ =	sdelay $0x7  }
0x25: {  	v3 =	vld.idx.msk [tilespmem:v3+s12+$0x0], $0xffff;
	_ =	sdelay $0x2  }
0x26: {  	v4 =	vmov s19  }
0x27: {  	v4 =	vshll.u32 v4, $0x4  }
0x28: {  	v4 =	vor.u32 v1, v4;
	v5 =	vand.u32 $0xFFFFFFF8, v3  }
0x29: {  	v3 =	vand.u32 $0x7, v3;
	v4 =	vadd.s32 v4, v5  }
0x2a: {  	p0 =	sne.s32 s19, $0x13F0;
	v3 =	vor.u32 v3, v4  }
.Ltmp1:
0x2b: {  	_ = 	snop;
	(pc) =	sbr.rel @p0 .LBB2_4-.Ltmp1, $3  }
0x2c: {  	_ =	sdelay $0x1  }
0x2d: {  	s20 =	simm.s32 $0x4F10  }
0x2e: {  	s18 =	sadd.s32 $0x10, s18;
	s19 =	sadd.s32 $0x10, s19;
	[tilespmem:v3+s20+$0x0] =	vst.idx.msk $0xffff, v2  }
.LBB2_5:
0x2f: {  	p0 =	sne.s32 s17, $0x4E00  }
.Ltmp2:
0x30: {  	_ = 	snop;
	(pc) =	sbr.rel @p0 .LBB2_5-.Ltmp2, $4  }
0x31: {  	_ = 	snop  }
0x32: {  	s18 =	sshra.s32 s17, $0x2  }
0x33: {  	[spmem:s3] =	stream.indirect.scatter.add.f32 [tilespmem:s20], [sflag:$0x1], $0x10, s18, s14, $0xb8;
	[tilespmem:$0x1B690] =	vst v63  }
0x34: {  	s17 =	sadd.s32 $0x200, s17;
	s20 =	sadd.s32 $0x800, s20  }
0x35: {  	_ =	swait.ge [sflag:s15], $0x800  }
0x36: {  	s17 =	simm.s32 $0x27;
	[sflag:s15] =	ssyncset.done $0x0  }
.LBB2_7:
0x37: {  	p0 =	sne.s32 s17, $0x1;
	s17 =	sadd.s32 $0xFFFFFFFF, s17;
	[sflag:s15] =	ssyncadd.s32 $0xFFFFF800  }
.Ltmp3:
0x38: {  	(pc) =	sbr.rel @p0 .LBB2_7-.Ltmp3, $3  }
0x39: {  	_ =	sdelay $0x1  }
0x3a: {  	_ =	swait.ge [sflag:s15], $0x800  }
0x3b: {  	[sflag:s15] =	ssyncset.done $0x0  }
0x3c: {  	[sflag:s15] =	ssyncadd.s32 $0xFFFFF800  }
0x3d: {  	[bflag:$0x0] =	sbarrier.arrive $0xFFFF  }
0x3e: {  	[tilespmem:s13], [sflag:$0x2] =	stream.linear.gather [spmem:s7], $0x2780, $0x38;
	[tilespmem:$0x1B690] =	vst v63  }
0x3f: {  	s16 =	sadd.s32 $0x1, s16;
	_ =	swait.ge [sflag:s10], $0x2780  }
0x40: {  	p0 =	sne.s32 s16, s9;
	[sflag:s10] =	ssyncset.done $0x0  }
.Ltmp4:
0x41: {  	[sflag:s10] =	ssyncadd.s32 $0xFFFFD880;
	(pc) =	sbr.rel @p0 .LBB2_1-.Ltmp4, $4  }
0x42: {  	[hbm4b:s8+s4] =	stream.linear.scatter [tilespmem:s13], [sflag:$0x2], $0x2780, $0x38;
	[tilespmem:$0x1B690] =	vst v63  }
0x43: {  	_ =	swait.ge [sflag:s10], $0x2780  }
0x44: {  	[sflag:s10] =	ssyncset.done $0x0  }
0x45: {  	[sflag:s10] =	ssyncadd.s32 $0xFFFFD880  }
0x46: {  	_ =	sfence.sel $0x180000  }
0x47: {  	[bflag:$0x0] =	sbarrier.arrive $0xFFFF  }
0x48: {  	p0 =	sne.s32 s1, $0x0;
	_ =	strace $0x90000047  }
0x49: {  	s0 =	sadd.s32 @!p0 $0x100000, s0;
	[bflag:$0x2] =	sbarrier.arrive $0xFFFF  }
0x4a: {  	[sflag:s0] =	ssyncadd.tile.s32 @!p0 $0x1;
	_ =	shalt  }
.Lfunc_end2:
_tile_overlayer_lowered:
.L_overlay_start_2:
0x4b: {  	(tag) =	ssettag $0x2  }
0x4c: {  	s0 =	rddreg [dreg:$0x0];
	s2 =	stileid.u32  }
0x4d: {  	s1 =	rddreg [dreg:$0x1];
	p0 =	sne.s32 s2, $0x0  }
0x4e: {  	s3 =	rddreg [dreg:$0x2];
	[bflag:$0x3] =	sbarrier.arrive $0xFFFF;
	s2 =	simm.s32 @!p0 $0x1C02  }
0x4f: {  	[timem:s3], [sflag:s2] =	dma.local @!p0 [hbm:s0], s1  }
0x50: {  	s0 =	simm.s32 @!p0 $0x2  }
0x51: {  	_ =	swait.ge @!p0 [sflag:s0], s1  }
0x52: {  	s1 =	ssub.s32 @!p0 $0x0, s1;
	[sflag:s0] =	ssyncset.done @!p0 $0x0  }
0x53: {  	[sflag:s0] =	ssyncadd.s32 @!p0 s1  }
0x54: {  	[bflag:$0x3] =	sbarrier.arrive $0xFFFF  }
0x55: {  	_ =	shalt  }

</sc_bundles>
